<compile_context>
chip_gen: v7x
topology: tpu7x:2x2x1
jax: 0.10.2.dev20260603
libtpu: 0.0.44.dev20260713+nightly
codegen_flags: <defaults>
</compile_context>

<pallas_src>
import functools

import jax
import jax.numpy as jnp
from jax import lax
from jax.experimental import pallas as pl
from jax.experimental.pallas import tpu as pltpu
from jax.experimental.pallas import tpu_sc as plsc

NUM_CORES = 2
NUM_SUBCORES = 16
LANES = 16
NUM_BUCKETS = 8192
EMAX = 9.0
EMIN = -7.0
INV_W = NUM_BUCKETS / (EMAX - EMIN)
CHUNK = 8192
UNROLL = 8


def _sc_histogram(yp, yt):
    imgs, rows, cols = yp.shape
    blk_rows = CHUNK // cols
    half_rows = rows // NUM_CORES
    n_chunks = half_rows // blk_rows
    mesh = plsc.VectorSubcoreMesh(
        core_axis_name="c", subcore_axis_name="s",
        num_cores=NUM_CORES, num_subcores=NUM_SUBCORES)
    hist_len = 2 * NUM_BUCKETS

    @functools.partial(
        pl.kernel,
        out_type=jax.ShapeDtypeStruct((NUM_CORES, imgs, hist_len), jnp.float32),
        mesh=mesh,
        compiler_params=pltpu.CompilerParams(needs_layout_passes=False),
        scratch_types=[
            pltpu.VMEM((2, blk_rows, cols), jnp.float32),
            pltpu.VMEM((2, blk_rows, cols), jnp.int32),
            pltpu.VMEM((hist_len,), jnp.float32),
            pltpu.SemaphoreType.DMA,
            pltpu.SemaphoreType.DMA,
            pltpu.SemaphoreType.DMA,
            pltpu.SemaphoreType.DMA,
        ],
    )
    def k(yp_hbm, yt_hbm, hist_out, yp_v, yt_v, hist,
          sem_p0, sem_p1, sem_t0, sem_t1):
        c = lax.axis_index("c")
        s = lax.axis_index("s")
        sems_p = (sem_p0, sem_p1)
        sems_t = (sem_t0, sem_t1)

        base = c * half_rows

        def start(ci, b):
            r0 = base + ci * blk_rows
            pltpu.async_copy(
                yp_hbm.at[s, pl.ds(r0, blk_rows), :], yp_v.at[b], sems_p[b])
            pltpu.async_copy(
                yt_hbm.at[s, pl.ds(r0, blk_rows), :], yt_v.at[b], sems_t[b])

        def wait(ci, b):
            r0 = base + ci * blk_rows
            pltpu.make_async_copy(
                yp_hbm.at[s, pl.ds(r0, blk_rows), :], yp_v.at[b], sems_p[b]).wait()
            pltpu.make_async_copy(
                yt_hbm.at[s, pl.ds(r0, blk_rows), :], yt_v.at[b], sems_t[b]).wait()

        for b in range(2):
            start(jnp.int32(b), b)

        def zinit(i, carry):
            z = jnp.zeros((LANES,), jnp.float32)
            for u in range(UNROLL):
                hist[pl.ds((i * UNROLL + u) * LANES, LANES)] = z
            return carry

        lax.fori_loop(0, hist_len // LANES // UNROLL, zinit, 0)

        ones = jnp.full((LANES,), 1.0, jnp.float32)
        a_const = jnp.float32((EMAX - 1.0) * INV_W)
        neg_inv_w = jnp.float32(-INV_W)
        hi_u = jnp.full((LANES,), NUM_BUCKETS - 1, jnp.uint32)
        lgroups = cols // LANES

        def process(b):
            @plsc.parallel_loop(0, CHUNK // LANES, unroll=UNROLL)
            def _step(j):
                r = j // lgroups
                sl = pl.ds((j % lgroups) * LANES, LANES)
                ypv = yp_v[b, r, sl]
                gt = yt_v[b, r, sl]
                sf = plsc.bitcast(
                    jnp.bitwise_xor(plsc.bitcast(ypv, jnp.int32),
                                    jnp.left_shift(gt, 31)),
                    jnp.float32)
                u_f = sf * neg_inv_w + a_const
                idx_u = jnp.minimum(plsc.bitcast(u_f.astype(jnp.int32),
                                                 jnp.uint32), hi_u)
                idx = plsc.bitcast(idx_u, jnp.int32) + jnp.left_shift(gt, 13)
                plsc.addupdate_scatter(hist, [idx], ones)

        def chunk_pair(ci2, carry):
            for b in range(2):
                ci = ci2 * 2 + b
                wait(ci, b)
                process(b)

                @pl.when(ci2 < n_chunks // 2 - 1)
                def _():
                    start(ci + 2, b)

            return carry

        lax.fori_loop(0, n_chunks // 2, chunk_pair, 0)

        pltpu.sync_copy(hist, hist_out.at[c, s])

    return k(yp, yt)


def _tc_finish(hist2):
    imgs = hist2.shape[1]
    b = NUM_BUCKETS

    def body(h_ref, out_ref):
        h = h_ref[0] + h_ref[1]
        nneg = h[:, :b]
        npos = h[:, b:]

        def cumsum_lanes(x):
            k = 1
            while k < b:
                shifted = jnp.concatenate(
                    [jnp.zeros((imgs, k), jnp.float32), x[:, :-k]], axis=1)
                x = x + shifted
                k *= 2
            return x

        cp_a = cumsum_lanes(npos)
        cn_a = cumsum_lanes(nneg)
        cp_b = cp_a - npos
        cn_b = cn_a - nneg
        p = cp_a[:, b - 1:b]
        num = (p - cp_b) * nneg + npos * (p + cn_b)
        den = jnp.maximum((p + cn_b) * (p + cn_a), 1.0)
        bucket_i = lax.broadcasted_iota(jnp.int32, (imgs, b), 1).astype(jnp.float32)
        relu_c = jnp.maximum(EMAX - (bucket_i + 0.5) / INV_W, 0.0)
        contrib = relu_c * (num / den)
        out_ref[0, 0] = jnp.sum(contrib) / imgs

    return pl.pallas_call(
        body,
        out_shape=jax.ShapeDtypeStruct((1, 1), jnp.float32),
        in_specs=[pl.BlockSpec(hist2.shape, lambda: (0, 0, 0))],
        out_specs=pl.BlockSpec((1, 1), lambda: (0, 0), memory_space=pltpu.SMEM),
    )(hist2)


def kernel(y_pred, y_true):
    hist2 = _sc_histogram(y_pred, y_true)
    loss = _tc_finish(hist2)
    return loss[0, 0]

# --- scband reference (transcript-rebuilt; emitter-appended) ---
"""Pipeline reference for scband-lovasz-hinge-loss-4166118277433 (READ-ONLY COPY).

The authoritative reference and input builder live on the scoring server;
editing this copy changes nothing except your own understanding.
"""

import jax, jax.numpy as jnp
import numpy as np


def _lovasz_hinge_flat(y_pred, y_true):
    y_pred = y_pred.reshape(-1)
    y_true = y_true.reshape(-1)
    signs = 2.0 * y_true.astype(jnp.float32) - 1.0
    errors = 1.0 - y_pred * signs
    perm = jnp.argsort(-errors)  # descending sort permutation
    errors_sorted = errors[perm]
    gt_sorted = y_true[perm]
    gts = gt_sorted.sum().astype(jnp.float32)
    intersection = gts - gt_sorted.astype(jnp.float32).cumsum(0)
    union = gts + (1 - gt_sorted).astype(jnp.float32).cumsum(0)
    jaccard = 1.0 - intersection / union
    jaccard = jnp.concatenate([jaccard[:1], jaccard[1:] - jaccard[:-1]], axis=0)
    return jnp.dot(jax.nn.relu(errors_sorted), jaccard)


def setup_inputs(seed: int = 0) -> dict:
    key = jax.random.key(seed)
    k1, k2 = jax.random.split(key)
    y_pred = jax.random.normal(k1, (16, 512, 512), dtype=jnp.float32)
    y_true = jax.random.randint(k2, (16, 512, 512), 0, 2).astype(jnp.int32)
    return {"y_pred": y_pred, "y_true": y_true}


def reference(y_pred, y_true):
    # per_image=True: loss computed per image then averaged over batch
    B = y_pred.shape[0]
    yp = y_pred.reshape(B, -1)
    yt = y_true.reshape(B, -1)
    losses = jax.vmap(_lovasz_hinge_flat)(yp, yt)
    return losses.sum() / B

if __name__ == "__main__":
    import jax
    _d = setup_inputs()
    print(jax.jit(kernel)(*tuple(_d.values())))

</pallas_src>

<mosaic_0001>
#map = affine_map<(d0, d1) -> (0, 0, 0)>
module attributes {stable_mosaic.version = 14 : i64} {
  func.func @k(%arg0: i32, %arg1: i32, %arg2: memref<16x512x512xf32, #tpu.memory_space<hbm>>, %arg3: memref<16x512x512xi32, #tpu.memory_space<hbm>>, %arg4: memref<2x16x16384xf32, #tpu.memory_space<hbm>>, %arg5: memref<2x16x512xf32, #tpu.memory_space<vmem>>, %arg6: memref<2x16x512xi32, #tpu.memory_space<vmem>>, %arg7: memref<16384xf32, #tpu.memory_space<vmem>>, %arg8: memref<!tpu.dma_semaphore, #tpu.memory_space<semaphore_mem>>, %arg9: memref<!tpu.dma_semaphore, #tpu.memory_space<semaphore_mem>>, %arg10: memref<!tpu.dma_semaphore, #tpu.memory_space<semaphore_mem>>, %arg11: memref<!tpu.dma_semaphore, #tpu.memory_space<semaphore_mem>>) attributes {dimension_semantics = [#tpu.dimension_semantics<core_parallel>, #tpu.dimension_semantics<subcore_parallel>], iteration_bounds = array<i64: 2, 16>, scalar_prefetch = 0 : i64, scratch_operands = 7 : i64, tpu.core_type = #tpu.core_type<sc_vector_subcore>, window_params = [{transform_indices = #map}, {transform_indices = #map}, {transform_indices = #map}]} {
    %mul3A = arith.constant 256 : i32
    %mul3A_0 = arith.muli %arg0, %mul3A : i32
    %mul3A_1 = arith.constant 0 : i32
    %mul3A_2 = arith.constant 16 : i32
    %mul3A_3 = arith.muli %mul3A_1, %mul3A_2 : i32
    %add3A = arith.addi %mul3A_0, %mul3A_3 : i32
    %dma_start3A = arith.constant 0 : i32
    %dma_start3A_4 = arith.constant 0 : i32
    %dma_start3A_5 = arith.constant 0 : i32
    %dma_start3A_6 = tpu.memref_slice %arg5[%dma_start3A, %dma_start3A_4, %dma_start3A_5] : memref<2x16x512xf32, #tpu.memory_space<vmem>> -> memref<1x16x512xf32, #tpu.memory_space<vmem>>
    %dma_start3A_7 = tpu.memref_squeeze %dma_start3A_6 : memref<1x16x512xf32, #tpu.memory_space<vmem>> -> memref<16x512xf32, #tpu.memory_space<vmem>>
    %dma_start3A_8 = arith.constant 0 : i32
    %dma_start3A_9 = tpu.memref_slice %arg2[%arg1, %add3A, %dma_start3A_8] : memref<16x512x512xf32, #tpu.memory_space<hbm>> -> memref<1x16x512xf32, #tpu.memory_space<hbm>>
    %dma_start3A_10 = tpu.memref_squeeze %dma_start3A_9 : memref<1x16x512xf32, #tpu.memory_space<hbm>> -> memref<16x512xf32, #tpu.memory_space<hbm>>
    %dma_start3A_11 = arith.constant 0 : i32
    %dma_start3A_12 = arith.constant 0 : i32
    %dma_start3A_13 = tpu.memref_slice %arg5[%dma_start3A, %dma_start3A_11, %dma_start3A_12] : memref<2x16x512xf32, #tpu.memory_space<vmem>> -> memref<1x16x512xf32, #tpu.memory_space<vmem>>
    %dma_start3A_14 = tpu.memref_squeeze %dma_start3A_13 : memref<1x16x512xf32, #tpu.memory_space<vmem>> -> memref<16x512xf32, #tpu.memory_space<vmem>>
    %dma_start3A_15 = arith.constant 0 : i32
    %dma_start3A_16 = tpu.memref_slice %arg2[%arg1, %add3A, %dma_start3A_15] : memref<16x512x512xf32, #tpu.memory_space<hbm>> -> memref<1x16x512xf32, #tpu.memory_space<hbm>>
    %dma_start3A_17 = tpu.memref_squeeze %dma_start3A_16 : memref<1x16x512xf32, #tpu.memory_space<hbm>> -> memref<16x512xf32, #tpu.memory_space<hbm>>
    tpu.enqueue_dma source(%dma_start3A_17 : memref<16x512xf32, #tpu.memory_space<hbm>>) target(%dma_start3A_14 : memref<16x512xf32, #tpu.memory_space<vmem>>) target_semaphore(%arg8 : memref<!tpu.dma_semaphore, #tpu.memory_space<semaphore_mem>>)
    %dma_start3A_18 = arith.constant 0 : i32
    %dma_start3A_19 = arith.constant 0 : i32
    %dma_start3A_20 = arith.constant 0 : i32
    %dma_start3A_21 = tpu.memref_slice %arg6[%dma_start3A_18, %dma_start3A_19, %dma_start3A_20] : memref<2x16x512xi32, #tpu.memory_space<vmem>> -> memref<1x16x512xi32, #tpu.memory_space<vmem>>
    %dma_start3A_22 = tpu.memref_squeeze %dma_start3A_21 : memref<1x16x512xi32, #tpu.memory_space<vmem>> -> memref<16x512xi32, #tpu.memory_space<vmem>>
    %dma_start3A_23 = arith.constant 0 : i32
    %dma_start3A_24 = tpu.memref_slice %arg3[%arg1, %add3A, %dma_start3A_23] : memref<16x512x512xi32, #tpu.memory_space<hbm>> -> memref<1x16x512xi32, #tpu.memory_space<hbm>>
    %dma_start3A_25 = tpu.memref_squeeze %dma_start3A_24 : memref<1x16x512xi32, #tpu.memory_space<hbm>> -> memref<16x512xi32, #tpu.memory_space<hbm>>
    %dma_start3A_26 = arith.constant 0 : i32
    %dma_start3A_27 = arith.constant 0 : i32
    %dma_start3A_28 = tpu.memref_slice %arg6[%dma_start3A_18, %dma_start3A_26, %dma_start3A_27] : memref<2x16x512xi32, #tpu.memory_space<vmem>> -> memref<1x16x512xi32, #tpu.memory_space<vmem>>
    %dma_start3A_29 = tpu.memref_squeeze %dma_start3A_28 : memref<1x16x512xi32, #tpu.memory_space<vmem>> -> memref<16x512xi32, #tpu.memory_space<vmem>>
    %dma_start3A_30 = arith.constant 0 : i32
    %dma_start3A_31 = tpu.memref_slice %arg3[%arg1, %add3A, %dma_start3A_30] : memref<16x512x512xi32, #tpu.memory_space<hbm>> -> memref<1x16x512xi32, #tpu.memory_space<hbm>>
    %dma_start3A_32 = tpu.memref_squeeze %dma_start3A_31 : memref<1x16x512xi32, #tpu.memory_space<hbm>> -> memref<16x512xi32, #tpu.memory_space<hbm>>
    tpu.enqueue_dma source(%dma_start3A_32 : memref<16x512xi32, #tpu.memory_space<hbm>>) target(%dma_start3A_29 : memref<16x512xi32, #tpu.memory_space<vmem>>) target_semaphore(%arg10 : memref<!tpu.dma_semaphore, #tpu.memory_space<semaphore_mem>>)
    %mul3A_33 = arith.constant 1 : i32
    %mul3A_34 = arith.constant 16 : i32
    %mul3A_35 = arith.muli %mul3A_33, %mul3A_34 : i32
    %add3A_36 = arith.addi %mul3A_0, %mul3A_35 : i32
    %dma_start3A_37 = arith.constant 1 : i32
    %dma_start3A_38 = arith.constant 0 : i32
    %dma_start3A_39 = arith.constant 0 : i32
    %dma_start3A_40 = tpu.memref_slice %arg5[%dma_start3A_37, %dma_start3A_38, %dma_start3A_39] : memref<2x16x512xf32, #tpu.memory_space<vmem>> -> memref<1x16x512xf32, #tpu.memory_space<vmem>>
    %dma_start3A_41 = tpu.memref_squeeze %dma_start3A_40 : memref<1x16x512xf32, #tpu.memory_space<vmem>> -> memref<16x512xf32, #tpu.memory_space<vmem>>
    %dma_start3A_42 = arith.constant 0 : i32
    %dma_start3A_43 = tpu.memref_slice %arg2[%arg1, %add3A_36, %dma_start3A_42] : memref<16x512x512xf32, #tpu.memory_space<hbm>> -> memref<1x16x512xf32, #tpu.memory_space<hbm>>
    %dma_start3A_44 = tpu.memref_squeeze %dma_start3A_43 : memref<1x16x512xf32, #tpu.memory_space<hbm>> -> memref<16x512xf32, #tpu.memory_space<hbm>>
    %dma_start3A_45 = arith.constant 0 : i32
    %dma_start3A_46 = arith.constant 0 : i32
    %dma_start3A_47 = tpu.memref_slice %arg5[%dma_start3A_37, %dma_start3A_45, %dma_start3A_46] : memref<2x16x512xf32, #tpu.memory_space<vmem>> -> memref<1x16x512xf32, #tpu.memory_space<vmem>>
    %dma_start3A_48 = tpu.memref_squeeze %dma_start3A_47 : memref<1x16x512xf32, #tpu.memory_space<vmem>> -> memref<16x512xf32, #tpu.memory_space<vmem>>
    %dma_start3A_49 = arith.constant 0 : i32
    %dma_start3A_50 = tpu.memref_slice %arg2[%arg1, %add3A_36, %dma_start3A_49] : memref<16x512x512xf32, #tpu.memory_space<hbm>> -> memref<1x16x512xf32, #tpu.memory_space<hbm>>
    %dma_start3A_51 = tpu.memref_squeeze %dma_start3A_50 : memref<1x16x512xf32, #tpu.memory_space<hbm>> -> memref<16x512xf32, #tpu.memory_space<hbm>>
    tpu.enqueue_dma source(%dma_start3A_51 : memref<16x512xf32, #tpu.memory_space<hbm>>) target(%dma_start3A_48 : memref<16x512xf32, #tpu.memory_space<vmem>>) target_semaphore(%arg9 : memref<!tpu.dma_semaphore, #tpu.memory_space<semaphore_mem>>)
    %dma_start3A_52 = arith.constant 1 : i32
    %dma_start3A_53 = arith.constant 0 : i32
    %dma_start3A_54 = arith.constant 0 : i32
    %dma_start3A_55 = tpu.memref_slice %arg6[%dma_start3A_52, %dma_start3A_53, %dma_start3A_54] : memref<2x16x512xi32, #tpu.memory_space<vmem>> -> memref<1x16x512xi32, #tpu.memory_space<vmem>>
    %dma_start3A_56 = tpu.memref_squeeze %dma_start3A_55 : memref<1x16x512xi32, #tpu.memory_space<vmem>> -> memref<16x512xi32, #tpu.memory_space<vmem>>
    %dma_start3A_57 = arith.constant 0 : i32
    %dma_start3A_58 = tpu.memref_slice %arg3[%arg1, %add3A_36, %dma_start3A_57] : memref<16x512x512xi32, #tpu.memory_space<hbm>> -> memref<1x16x512xi32, #tpu.memory_space<hbm>>
    %dma_start3A_59 = tpu.memref_squeeze %dma_start3A_58 : memref<1x16x512xi32, #tpu.memory_space<hbm>> -> memref<16x512xi32, #tpu.memory_space<hbm>>
    %dma_start3A_60 = arith.constant 0 : i32
    %dma_start3A_61 = arith.constant 0 : i32
    %dma_start3A_62 = tpu.memref_slice %arg6[%dma_start3A_52, %dma_start3A_60, %dma_start3A_61] : memref<2x16x512xi32, #tpu.memory_space<vmem>> -> memref<1x16x512xi32, #tpu.memory_space<vmem>>
    %dma_start3A_63 = tpu.memref_squeeze %dma_start3A_62 : memref<1x16x512xi32, #tpu.memory_space<vmem>> -> memref<16x512xi32, #tpu.memory_space<vmem>>
    %dma_start3A_64 = arith.constant 0 : i32
    %dma_start3A_65 = tpu.memref_slice %arg3[%arg1, %add3A_36, %dma_start3A_64] : memref<16x512x512xi32, #tpu.memory_space<hbm>> -> memref<1x16x512xi32, #tpu.memory_space<hbm>>
    %dma_start3A_66 = tpu.memref_squeeze %dma_start3A_65 : memref<1x16x512xi32, #tpu.memory_space<hbm>> -> memref<16x512xi32, #tpu.memory_space<hbm>>
    tpu.enqueue_dma source(%dma_start3A_66 : memref<16x512xi32, #tpu.memory_space<hbm>>) target(%dma_start3A_63 : memref<16x512xi32, #tpu.memory_space<vmem>>) target_semaphore(%arg11 : memref<!tpu.dma_semaphore, #tpu.memory_space<semaphore_mem>>)
    %scan3A = arith.constant 0 : i32
    %scan3A_67 = arith.constant 0 : i32
    %scan3A_68 = arith.constant 128 : i32
    %scan3A_69 = arith.addi %scan3A_67, %scan3A_68 : i32
    %scan3A_70 = arith.constant 1 : i32
    scf.for %scan3A_83 = %scan3A_67 to %scan3A_69 step %scan3A_70  : i32 {
      %broadcast_in_dim3A_84 = arith.constant 0.000000e+00 : f32
      %broadcast_in_dim3A_85 = vector.broadcast %broadcast_in_dim3A_84 : f32 to vector<16xf32>
      %mul3A_86 = arith.constant 8 : i32
      %mul3A_87 = arith.muli %scan3A_83, %mul3A_86 : i32
      %add3A_88 = arith.constant 0 : i32
      %add3A_89 = arith.addi %mul3A_87, %add3A_88 : i32
      %mul3A_90 = arith.constant 16 : i32
      %mul3A_91 = arith.muli %add3A_89, %mul3A_90 : i32
      %swap3A = arith.index_cast %mul3A_91 : i32 to index
      %swap3A_92 = tpu.vector_load %arg7[%swap3A] {strides = array<i32>} : memref<16384xf32, #tpu.memory_space<vmem>>, vector<16xf32>,
      tpu.vector_store %arg7[%swap3A], %broadcast_in_dim3A_85 {strides = array<i32>} : memref<16384xf32, #tpu.memory_space<vmem>>, vector<16xf32>,
      %mul3A_93 = arith.constant 8 : i32
      %mul3A_94 = arith.muli %scan3A_83, %mul3A_93 : i32
      %add3A_95 = arith.constant 1 : i32
      %add3A_96 = arith.addi %mul3A_94, %add3A_95 : i32
      %mul3A_97 = arith.constant 16 : i32
      %mul3A_98 = arith.muli %add3A_96, %mul3A_97 : i32
      %swap3A_99 = arith.index_cast %mul3A_98 : i32 to index
      %swap3A_100 = tpu.vector_load %arg7[%swap3A_99] {strides = array<i32>} : memref<16384xf32, #tpu.memory_space<vmem>>, vector<16xf32>,
      tpu.vector_store %arg7[%swap3A_99], %broadcast_in_dim3A_85 {strides = array<i32>} : memref<16384xf32, #tpu.memory_space<vmem>>, vector<16xf32>,
      %mul3A_101 = arith.constant 8 : i32
      %mul3A_102 = arith.muli %scan3A_83, %mul3A_101 : i32
      %add3A_103 = arith.constant 2 : i32
      %add3A_104 = arith.addi %mul3A_102, %add3A_103 : i32
      %mul3A_105 = arith.constant 16 : i32
      %mul3A_106 = arith.muli %add3A_104, %mul3A_105 : i32
      %swap3A_107 = arith.index_cast %mul3A_106 : i32 to index
      %swap3A_108 = tpu.vector_load %arg7[%swap3A_107] {strides = array<i32>} : memref<16384xf32, #tpu.memory_space<vmem>>, vector<16xf32>,
      tpu.vector_store %arg7[%swap3A_107], %broadcast_in_dim3A_85 {strides = array<i32>} : memref<16384xf32, #tpu.memory_space<vmem>>, vector<16xf32>,
      %mul3A_109 = arith.constant 8 : i32
      %mul3A_110 = arith.muli %scan3A_83, %mul3A_109 : i32
      %add3A_111 = arith.constant 3 : i32
      %add3A_112 = arith.addi %mul3A_110, %add3A_111 : i32
      %mul3A_113 = arith.constant 16 : i32
      %mul3A_114 = arith.muli %add3A_112, %mul3A_113 : i32
      %swap3A_115 = arith.index_cast %mul3A_114 : i32 to index
      %swap3A_116 = tpu.vector_load %arg7[%swap3A_115] {strides = array<i32>} : memref<16384xf32, #tpu.memory_space<vmem>>, vector<16xf32>,
      tpu.vector_store %arg7[%swap3A_115], %broadcast_in_dim3A_85 {strides = array<i32>} : memref<16384xf32, #tpu.memory_space<vmem>>, vector<16xf32>,
      %mul3A_117 = arith.constant 8 : i32
      %mul3A_118 = arith.muli %scan3A_83, %mul3A_117 : i32
      %add3A_119 = arith.constant 4 : i32
      %add3A_120 = arith.addi %mul3A_118, %add3A_119 : i32
      %mul3A_121 = arith.constant 16 : i32
      %mul3A_122 = arith.muli %add3A_120, %mul3A_121 : i32
      %swap3A_123 = arith.index_cast %mul3A_122 : i32 to index
      %swap3A_124 = tpu.vector_load %arg7[%swap3A_123] {strides = array<i32>} : memref<16384xf32, #tpu.memory_space<vmem>>, vector<16xf32>,
      tpu.vector_store %arg7[%swap3A_123], %broadcast_in_dim3A_85 {strides = array<i32>} : memref<16384xf32, #tpu.memory_space<vmem>>, vector<16xf32>,
      %mul3A_125 = arith.constant 8 : i32
      %mul3A_126 = arith.muli %scan3A_83, %mul3A_125 : i32
      %add3A_127 = arith.constant 5 : i32
      %add3A_128 = arith.addi %mul3A_126, %add3A_127 : i32
      %mul3A_129 = arith.constant 16 : i32
      %mul3A_130 = arith.muli %add3A_128, %mul3A_129 : i32
      %swap3A_131 = arith.index_cast %mul3A_130 : i32 to index
      %swap3A_132 = tpu.vector_load %arg7[%swap3A_131] {strides = array<i32>} : memref<16384xf32, #tpu.memory_space<vmem>>, vector<16xf32>,
      tpu.vector_store %arg7[%swap3A_131], %broadcast_in_dim3A_85 {strides = array<i32>} : memref<16384xf32, #tpu.memory_space<vmem>>, vector<16xf32>,
      %mul3A_133 = arith.constant 8 : i32
      %mul3A_134 = arith.muli %scan3A_83, %mul3A_133 : i32
      %add3A_135 = arith.constant 6 : i32
      %add3A_136 = arith.addi %mul3A_134, %add3A_135 : i32
      %mul3A_137 = arith.constant 16 : i32
      %mul3A_138 = arith.muli %add3A_136, %mul3A_137 : i32
      %swap3A_139 = arith.index_cast %mul3A_138 : i32 to index
      %swap3A_140 = tpu.vector_load %arg7[%swap3A_139] {strides = array<i32>} : memref<16384xf32, #tpu.memory_space<vmem>>, vector<16xf32>,
      tpu.vector_store %arg7[%swap3A_139], %broadcast_in_dim3A_85 {strides = array<i32>} : memref<16384xf32, #tpu.memory_space<vmem>>, vector<16xf32>,
      %mul3A_141 = arith.constant 8 : i32
      %mul3A_142 = arith.muli %scan3A_83, %mul3A_141 : i32
      %add3A_143 = arith.constant 7 : i32
      %add3A_144 = arith.addi %mul3A_142, %add3A_143 : i32
      %mul3A_145 = arith.constant 16 : i32
      %mul3A_146 = arith.muli %add3A_144, %mul3A_145 : i32
      %swap3A_147 = arith.index_cast %mul3A_146 : i32 to index
      %swap3A_148 = tpu.vector_load %arg7[%swap3A_147] {strides = array<i32>} : memref<16384xf32, #tpu.memory_space<vmem>>, vector<16xf32>,
      tpu.vector_store %arg7[%swap3A_147], %broadcast_in_dim3A_85 {strides = array<i32>} : memref<16384xf32, #tpu.memory_space<vmem>>, vector<16xf32>,
    }
    %scan3A_71 = arith.constant 128 : i32
    %broadcast_in_dim3A = arith.constant 1.000000e+00 : f32
    %broadcast_in_dim3A_72 = vector.broadcast %broadcast_in_dim3A : f32 to vector<16xf32>
    %broadcast_in_dim3A_73 = arith.constant 8191 : i32
    %broadcast_in_dim3A_74 = vector.broadcast %broadcast_in_dim3A_73 : i32 to vector<16xi32>
    %scan3A_75 = arith.constant 0 : i32
    %scan3A_76 = arith.constant -5.120000e+02 : f32
    %scan3A_77 = arith.constant 4.096000e+03 : f32
    %scan3A_78 = arith.constant 0 : i32
    %scan3A_79 = arith.constant 8 : i32
    %scan3A_80 = arith.addi %scan3A_78, %scan3A_79 : i32
    %scan3A_81 = arith.constant 1 : i32
    scf.for %scan3A_83 = %scan3A_78 to %scan3A_80 step %scan3A_81  : i32 {
      %mul3A_84 = arith.constant 2 : i32
      %mul3A_85 = arith.muli %scan3A_83, %mul3A_84 : i32
      %add3A_86 = arith.constant 0 : i32
      %add3A_87 = arith.addi %mul3A_85, %add3A_86 : i32
      %mul3A_88 = arith.constant 16 : i32
      %mul3A_89 = arith.muli %add3A_87, %mul3A_88 : i32
      %add3A_90 = arith.addi %mul3A_0, %mul3A_89 : i32
      %dma_wait3A = arith.constant 0 : i32
      %dma_wait3A_91 = arith.constant 0 : i32
      %dma_wait3A_92 = arith.constant 0 : i32
      %dma_wait3A_93 = tpu.memref_slice %arg5[%dma_wait3A, %dma_wait3A_91, %dma_wait3A_92] : memref<2x16x512xf32, #tpu.memory_space<vmem>> -> memref<1x16x512xf32, #tpu.memory_space<vmem>>
      %dma_wait3A_94 = tpu.memref_squeeze %dma_wait3A_93 : memref<1x16x512xf32, #tpu.memory_space<vmem>> -> memref<16x512xf32, #tpu.memory_space<vmem>>
      %dma_wait3A_95 = arith.constant 0 : i32
      %dma_wait3A_96 = tpu.memref_slice %arg2[%arg1, %add3A_90, %dma_wait3A_95] : memref<16x512x512xf32, #tpu.memory_space<hbm>> -> memref<1x16x512xf32, #tpu.memory_space<hbm>>
      %dma_wait3A_97 = tpu.memref_squeeze %dma_wait3A_96 : memref<1x16x512xf32, #tpu.memory_space<hbm>> -> memref<16x512xf32, #tpu.memory_space<hbm>>
      %dma_wait3A_98 = arith.constant 0 : i32
      %dma_wait3A_99 = arith.constant 0 : i32
      %dma_wait3A_100 = tpu.memref_slice %arg5[%dma_wait3A, %dma_wait3A_98, %dma_wait3A_99] : memref<2x16x512xf32, #tpu.memory_space<vmem>> -> memref<1x16x512xf32, #tpu.memory_space<vmem>>
      %dma_wait3A_101 = tpu.memref_squeeze %dma_wait3A_100 : memref<1x16x512xf32, #tpu.memory_space<vmem>> -> memref<16x512xf32, #tpu.memory_space<vmem>>
      %dma_wait3A_102 = arith.constant 0 : i32
      %dma_wait3A_103 = tpu.memref_slice %arg2[%arg1, %add3A_90, %dma_wait3A_102] : memref<16x512x512xf32, #tpu.memory_space<hbm>> -> memref<1x16x512xf32, #tpu.memory_space<hbm>>
      %dma_wait3A_104 = tpu.memref_squeeze %dma_wait3A_103 : memref<1x16x512xf32, #tpu.memory_space<hbm>> -> memref<16x512xf32, #tpu.memory_space<hbm>>
      tpu.wait_dma2 semaphore(%arg8 : memref<!tpu.dma_semaphore, #tpu.memory_space<semaphore_mem>>) src(%dma_wait3A_104 : memref<16x512xf32, #tpu.memory_space<hbm>>) dst(%dma_wait3A_101 : memref<16x512xf32, #tpu.memory_space<vmem>>)
      %dma_wait3A_105 = arith.constant 0 : i32
      %dma_wait3A_106 = arith.constant 0 : i32
      %dma_wait3A_107 = arith.constant 0 : i32
      %dma_wait3A_108 = tpu.memref_slice %arg6[%dma_wait3A_105, %dma_wait3A_106, %dma_wait3A_107] : memref<2x16x512xi32, #tpu.memory_space<vmem>> -> memref<1x16x512xi32, #tpu.memory_space<vmem>>
      %dma_wait3A_109 = tpu.memref_squeeze %dma_wait3A_108 : memref<1x16x512xi32, #tpu.memory_space<vmem>> -> memref<16x512xi32, #tpu.memory_space<vmem>>
      %dma_wait3A_110 = arith.constant 0 : i32
      %dma_wait3A_111 = tpu.memref_slice %arg3[%arg1, %add3A_90, %dma_wait3A_110] : memref<16x512x512xi32, #tpu.memory_space<hbm>> -> memref<1x16x512xi32, #tpu.memory_space<hbm>>
      %dma_wait3A_112 = tpu.memref_squeeze %dma_wait3A_111 : memref<1x16x512xi32, #tpu.memory_space<hbm>> -> memref<16x512xi32, #tpu.memory_space<hbm>>
      %dma_wait3A_113 = arith.constant 0 : i32
      %dma_wait3A_114 = arith.constant 0 : i32
      %dma_wait3A_115 = tpu.memref_slice %arg6[%dma_wait3A_105, %dma_wait3A_113, %dma_wait3A_114] : memref<2x16x512xi32, #tpu.memory_space<vmem>> -> memref<1x16x512xi32, #tpu.memory_space<vmem>>
      %dma_wait3A_116 = tpu.memref_squeeze %dma_wait3A_115 : memref<1x16x512xi32, #tpu.memory_space<vmem>> -> memref<16x512xi32, #tpu.memory_space<vmem>>
      %dma_wait3A_117 = arith.constant 0 : i32
      %dma_wait3A_118 = tpu.memref_slice %arg3[%arg1, %add3A_90, %dma_wait3A_117] : memref<16x512x512xi32, #tpu.memory_space<hbm>> -> memref<1x16x512xi32, #tpu.memory_space<hbm>>
      %dma_wait3A_119 = tpu.memref_squeeze %dma_wait3A_118 : memref<1x16x512xi32, #tpu.memory_space<hbm>> -> memref<16x512xi32, #tpu.memory_space<hbm>>
      tpu.wait_dma2 semaphore(%arg10 : memref<!tpu.dma_semaphore, #tpu.memory_space<semaphore_mem>>) src(%dma_wait3A_119 : memref<16x512xi32, #tpu.memory_space<hbm>>) dst(%dma_wait3A_116 : memref<16x512xi32, #tpu.memory_space<vmem>>)
      %parallel_loop3A = arith.constant 0 : i32
      %parallel_loop3A_120 = arith.constant 512 : i32
      %parallel_loop3A_121 = arith.constant 1 : i32
      scf.for %parallel_loop3A_169 = %parallel_loop3A to %parallel_loop3A_120 step %parallel_loop3A_121  : i32 {
        %parallel_loop3A_170 = arith.constant 32 : i32
        %parallel_loop3A_171 = arith.divsi %parallel_loop3A_169, %parallel_loop3A_170 : i32
        %parallel_loop3A_172 = arith.constant 0 : i32
        %parallel_loop3A_173 = arith.cmpi sgt, %parallel_loop3A_169, %parallel_loop3A_172 : i32
        %parallel_loop3A_174 = arith.extui %parallel_loop3A_173 : i1 to i32
        %parallel_loop3A_175 = arith.constant 0 : i32
        %parallel_loop3A_176 = arith.cmpi slt, %parallel_loop3A_169, %parallel_loop3A_175 : i32
        %parallel_loop3A_177 = arith.extui %parallel_loop3A_176 : i1 to i32
        %parallel_loop3A_178 = arith.subi %parallel_loop3A_174, %parallel_loop3A_177 : i32
        %parallel_loop3A_179 = arith.constant 0 : i32
        %parallel_loop3A_180 = arith.cmpi sgt, %parallel_loop3A_170, %parallel_loop3A_179 : i32
        %parallel_loop3A_181 = arith.extui %parallel_loop3A_180 : i1 to i32
        %parallel_loop3A_182 = arith.constant 0 : i32
        %parallel_loop3A_183 = arith.cmpi slt, %parallel_loop3A_170, %parallel_loop3A_182 : i32
        %parallel_loop3A_184 = arith.extui %parallel_loop3A_183 : i1 to i32
        %parallel_loop3A_185 = arith.subi %parallel_loop3A_181, %parallel_loop3A_184 : i32
        %parallel_loop3A_186 = arith.cmpi ne, %parallel_loop3A_178, %parallel_loop3A_185 : i32
        %parallel_loop3A_187 = arith.remsi %parallel_loop3A_169, %parallel_loop3A_170 : i32
        %parallel_loop3A_188 = arith.constant 0 : i32
        %parallel_loop3A_189 = arith.cmpi ne, %parallel_loop3A_187, %parallel_loop3A_188 : i32
        %parallel_loop3A_190 = arith.andi %parallel_loop3A_186, %parallel_loop3A_189 : i1
        %parallel_loop3A_191 = arith.constant 1 : i32
        %parallel_loop3A_192 = arith.subi %parallel_loop3A_171, %parallel_loop3A_191 : i32
        %parallel_loop3A_193 = arith.select %parallel_loop3A_190, %parallel_loop3A_192, %parallel_loop3A_171 : i32
        %parallel_loop3A_194 = arith.constant 32 : i32
        %parallel_loop3A_195 = arith.constant 0 : i32
        %parallel_loop3A_196 = arith.cmpi eq, %parallel_loop3A_194, %parallel_loop3A_195 : i32
        %parallel_loop3A_197 = arith.constant 1 : i32
        %parallel_loop3A_198 = arith.select %parallel_loop3A_196, %parallel_loop3A_197, %parallel_loop3A_194 : i32
        %parallel_loop3A_199 = arith.remsi %parallel_loop3A_169, %parallel_loop3A_198 : i32
        %parallel_loop3A_200 = arith.constant 0 : i32
        %parallel_loop3A_201 = arith.cmpi ne, %parallel_loop3A_199, %parallel_loop3A_200 : i32
        %parallel_loop3A_202 = arith.constant 0 : i32
        %parallel_loop3A_203 = arith.cmpi slt, %parallel_loop3A_199, %parallel_loop3A_202 : i32
        %parallel_loop3A_204 = arith.constant 0 : i32
        %parallel_loop3A_205 = arith.cmpi slt, %parallel_loop3A_198, %parallel_loop3A_204 : i32
        %parallel_loop3A_206 = arith.xori %parallel_loop3A_203, %parallel_loop3A_205 : i1
        %parallel_loop3A_207 = arith.andi %parallel_loop3A_206, %parallel_loop3A_201 : i1
        %parallel_loop3A_208 = arith.addi %parallel_loop3A_199, %parallel_loop3A_198 : i32
        %parallel_loop3A_209 = arith.select %parallel_loop3A_207, %parallel_loop3A_208, %parallel_loop3A_199 : i32
        %parallel_loop3A_210 = arith.constant 16 : i32
        %parallel_loop3A_211 = arith.muli %parallel_loop3A_209, %parallel_loop3A_210 : i32
        %parallel_loop3A_212 = arith.constant 0 : i32
        %parallel_loop3A_213 = arith.index_cast %parallel_loop3A_212 : i32 to index
        %parallel_loop3A_214 = arith.index_cast %parallel_loop3A_193 : i32 to index
        %parallel_loop3A_215 = arith.index_cast %parallel_loop3A_211 : i32 to index
        %parallel_loop3A_216 = tpu.vector_load %arg5[%parallel_loop3A_213, %parallel_loop3A_214, %parallel_loop3A_215] {strides = array<i32>} : memref<2x16x512xf32, #tpu.memory_space<vmem>>, vector<16xf32>,
        %parallel_loop3A_217 = arith.constant 0 : i32
        %parallel_loop3A_218 = arith.index_cast %parallel_loop3A_217 : i32 to index
        %parallel_loop3A_219 = arith.index_cast %parallel_loop3A_193 : i32 to index
        %parallel_loop3A_220 = arith.index_cast %parallel_loop3A_211 : i32 to index
        %parallel_loop3A_221 = tpu.vector_load %arg6[%parallel_loop3A_218, %parallel_loop3A_219, %parallel_loop3A_220] {strides = array<i32>} : memref<2x16x512xi32, #tpu.memory_space<vmem>>, vector<16xi32>,
        %parallel_loop3A_222 = vector.bitcast %parallel_loop3A_216 : vector<16xf32> to vector<16xi32>
        %parallel_loop3A_223 = arith.constant 31 : i32
        %parallel_loop3A_224 = vector.broadcast %parallel_loop3A_223 : i32 to vector<16xi32>
        %parallel_loop3A_225 = arith.shli %parallel_loop3A_221, %parallel_loop3A_224 : vector<16xi32>
        %parallel_loop3A_226 = arith.xori %parallel_loop3A_222, %parallel_loop3A_225 : vector<16xi32>
        %parallel_loop3A_227 = vector.bitcast %parallel_loop3A_226 : vector<16xi32> to vector<16xf32>
        %parallel_loop3A_228 = vector.broadcast %scan3A_76 : f32 to vector<16xf32>
        %parallel_loop3A_229 = arith.mulf %parallel_loop3A_227, %parallel_loop3A_228 : vector<16xf32>
        %parallel_loop3A_230 = vector.broadcast %scan3A_77 : f32 to vector<16xf32>
        %parallel_loop3A_231 = arith.addf %parallel_loop3A_229, %parallel_loop3A_230 : vector<16xf32>
        %parallel_loop3A_232 = arith.fptosi %parallel_loop3A_231 : vector<16xf32> to vector<16xi32>
        %parallel_loop3A_233 = vector.bitcast %parallel_loop3A_232 : vector<16xi32> to vector<16xi32>
        %parallel_loop3A_234 = arith.minui %parallel_loop3A_233, %broadcast_in_dim3A_74 : vector<16xi32>
        %parallel_loop3A_235 = vector.bitcast %parallel_loop3A_234 : vector<16xi32> to vector<16xi32>
        %parallel_loop3A_236 = arith.constant 13 : i32
        %parallel_loop3A_237 = vector.broadcast %parallel_loop3A_236 : i32 to vector<16xi32>
        %parallel_loop3A_238 = arith.shli %parallel_loop3A_221, %parallel_loop3A_237 : vector<16xi32>
        %parallel_loop3A_239 = arith.addi %parallel_loop3A_235, %parallel_loop3A_238 : vector<16xi32>
        tpu.vector_store_idx %arg7[%parallel_loop3A_239], %broadcast_in_dim3A_72 {add = true} : memref<16384xf32, #tpu.memory_space<vmem>>[vector<16xi32>], vector<16xf32>,
      } {sc.loop_unroll_factor = 8 : i64, sc.parallel_access}
      %lt3A = arith.constant 7 : i32
      %lt3A_122 = arith.cmpi slt, %scan3A_83, %lt3A : i32
      %convert_element_type3A = arith.extui %lt3A_122 : i1 to i32
      %cond3A = arith.constant 0 : i32
      %cond3A_123 = arith.cmpi ne, %convert_element_type3A, %cond3A : i32
      scf.if %cond3A_123 {
        %add3A_169 = arith.constant 2 : i32
        %add3A_170 = arith.addi %add3A_87, %add3A_169 : i32
        %mul3A_171 = arith.constant 16 : i32
        %mul3A_172 = arith.muli %add3A_170, %mul3A_171 : i32
        %add3A_173 = arith.addi %mul3A_0, %mul3A_172 : i32
        %dma_start3A_174 = arith.constant 0 : i32
        %dma_start3A_175 = arith.constant 0 : i32
        %dma_start3A_176 = arith.constant 0 : i32
        %dma_start3A_177 = tpu.memref_slice %arg5[%dma_start3A_174, %dma_start3A_175, %dma_start3A_176] : memref<2x16x512xf32, #tpu.memory_space<vmem>> -> memref<1x16x512xf32, #tpu.memory_space<vmem>>
        %dma_start3A_178 = tpu.memref_squeeze %dma_start3A_177 : memref<1x16x512xf32, #tpu.memory_space<vmem>> -> memref<16x512xf32, #tpu.memory_space<vmem>>
        %dma_start3A_179 = arith.constant 0 : i32
        %dma_start3A_180 = tpu.memref_slice %arg2[%arg1, %add3A_173, %dma_start3A_179] : memref<16x512x512xf32, #tpu.memory_space<hbm>> -> memref<1x16x512xf32, #tpu.memory_space<hbm>>
        %dma_start3A_181 = tpu.memref_squeeze %dma_start3A_180 : memref<1x16x512xf32, #tpu.memory_space<hbm>> -> memref<16x512xf32, #tpu.memory_space<hbm>>
        %dma_start3A_182 = arith.constant 0 : i32
        %dma_start3A_183 = arith.constant 0 : i32
        %dma_start3A_184 = tpu.memref_slice %arg5[%dma_start3A_174, %dma_start3A_182, %dma_start3A_183] : memref<2x16x512xf32, #tpu.memory_space<vmem>> -> memref<1x16x512xf32, #tpu.memory_space<vmem>>
        %dma_start3A_185 = tpu.memref_squeeze %dma_start3A_184 : memref<1x16x512xf32, #tpu.memory_space<vmem>> -> memref<16x512xf32, #tpu.memory_space<vmem>>
        %dma_start3A_186 = arith.constant 0 : i32
        %dma_start3A_187 = tpu.memref_slice %arg2[%arg1, %add3A_173, %dma_start3A_186] : memref<16x512x512xf32, #tpu.memory_space<hbm>> -> memref<1x16x512xf32, #tpu.memory_space<hbm>>
        %dma_start3A_188 = tpu.memref_squeeze %dma_start3A_187 : memref<1x16x512xf32, #tpu.memory_space<hbm>> -> memref<16x512xf32, #tpu.memory_space<hbm>>
        tpu.enqueue_dma source(%dma_start3A_188 : memref<16x512xf32, #tpu.memory_space<hbm>>) target(%dma_start3A_185 : memref<16x512xf32, #tpu.memory_space<vmem>>) target_semaphore(%arg8 : memref<!tpu.dma_semaphore, #tpu.memory_space<semaphore_mem>>)
        %dma_start3A_189 = arith.constant 0 : i32
        %dma_start3A_190 = arith.constant 0 : i32
        %dma_start3A_191 = arith.constant 0 : i32
        %dma_start3A_192 = tpu.memref_slice %arg6[%dma_start3A_189, %dma_start3A_190, %dma_start3A_191] : memref<2x16x512xi32, #tpu.memory_space<vmem>> -> memref<1x16x512xi32, #tpu.memory_space<vmem>>
        %dma_start3A_193 = tpu.memref_squeeze %dma_start3A_192 : memref<1x16x512xi32, #tpu.memory_space<vmem>> -> memref<16x512xi32, #tpu.memory_space<vmem>>
        %dma_start3A_194 = arith.constant 0 : i32
        %dma_start3A_195 = tpu.memref_slice %arg3[%arg1, %add3A_173, %dma_start3A_194] : memref<16x512x512xi32, #tpu.memory_space<hbm>> -> memref<1x16x512xi32, #tpu.memory_space<hbm>>
        %dma_start3A_196 = tpu.memref_squeeze %dma_start3A_195 : memref<1x16x512xi32, #tpu.memory_space<hbm>> -> memref<16x512xi32, #tpu.memory_space<hbm>>
        %dma_start3A_197 = arith.constant 0 : i32
        %dma_start3A_198 = arith.constant 0 : i32
        %dma_start3A_199 = tpu.memref_slice %arg6[%dma_start3A_189, %dma_start3A_197, %dma_start3A_198] : memref<2x16x512xi32, #tpu.memory_space<vmem>> -> memref<1x16x512xi32, #tpu.memory_space<vmem>>
        %dma_start3A_200 = tpu.memref_squeeze %dma_start3A_199 : memref<1x16x512xi32, #tpu.memory_space<vmem>> -> memref<16x512xi32, #tpu.memory_space<vmem>>
        %dma_start3A_201 = arith.constant 0 : i32
        %dma_start3A_202 = tpu.memref_slice %arg3[%arg1, %add3A_173, %dma_start3A_201] : memref<16x512x512xi32, #tpu.memory_space<hbm>> -> memref<1x16x512xi32, #tpu.memory_space<hbm>>
        %dma_start3A_203 = tpu.memref_squeeze %dma_start3A_202 : memref<1x16x512xi32, #tpu.memory_space<hbm>> -> memref<16x512xi32, #tpu.memory_space<hbm>>
        tpu.enqueue_dma source(%dma_start3A_203 : memref<16x512xi32, #tpu.memory_space<hbm>>) target(%dma_start3A_200 : memref<16x512xi32, #tpu.memory_space<vmem>>) target_semaphore(%arg10 : memref<!tpu.dma_semaphore, #tpu.memory_space<semaphore_mem>>)
      } else {
      }
      %mul3A_124 = arith.constant 2 : i32
      %mul3A_125 = arith.muli %scan3A_83, %mul3A_124 : i32
      %add3A_126 = arith.constant 1 : i32
      %add3A_127 = arith.addi %mul3A_125, %add3A_126 : i32
      %mul3A_128 = arith.constant 16 : i32
      %mul3A_129 = arith.muli %add3A_127, %mul3A_128 : i32
      %add3A_130 = arith.addi %mul3A_0, %mul3A_129 : i32
      %dma_wait3A_131 = arith.constant 1 : i32
      %dma_wait3A_132 = arith.constant 0 : i32
      %dma_wait3A_133 = arith.constant 0 : i32
      %dma_wait3A_134 = tpu.memref_slice %arg5[%dma_wait3A_131, %dma_wait3A_132, %dma_wait3A_133] : memref<2x16x512xf32, #tpu.memory_space<vmem>> -> memref<1x16x512xf32, #tpu.memory_space<vmem>>
      %dma_wait3A_135 = tpu.memref_squeeze %dma_wait3A_134 : memref<1x16x512xf32, #tpu.memory_space<vmem>> -> memref<16x512xf32, #tpu.memory_space<vmem>>
      %dma_wait3A_136 = arith.constant 0 : i32
      %dma_wait3A_137 = tpu.memref_slice %arg2[%arg1, %add3A_130, %dma_wait3A_136] : memref<16x512x512xf32, #tpu.memory_space<hbm>> -> memref<1x16x512xf32, #tpu.memory_space<hbm>>
      %dma_wait3A_138 = tpu.memref_squeeze %dma_wait3A_137 : memref<1x16x512xf32, #tpu.memory_space<hbm>> -> memref<16x512xf32, #tpu.memory_space<hbm>>
      %dma_wait3A_139 = arith.constant 0 : i32
      %dma_wait3A_140 = arith.constant 0 : i32
      %dma_wait3A_141 = tpu.memref_slice %arg5[%dma_wait3A_131, %dma_wait3A_139, %dma_wait3A_140] : memref<2x16x512xf32, #tpu.memory_space<vmem>> -> memref<1x16x512xf32, #tpu.memory_space<vmem>>
      %dma_wait3A_142 = tpu.memref_squeeze %dma_wait3A_141 : memref<1x16x512xf32, #tpu.memory_space<vmem>> -> memref<16x512xf32, #tpu.memory_space<vmem>>
      %dma_wait3A_143 = arith.constant 0 : i32
      %dma_wait3A_144 = tpu.memref_slice %arg2[%arg1, %add3A_130, %dma_wait3A_143] : memref<16x512x512xf32, #tpu.memory_space<hbm>> -> memref<1x16x512xf32, #tpu.memory_space<hbm>>
      %dma_wait3A_145 = tpu.memref_squeeze %dma_wait3A_144 : memref<1x16x512xf32, #tpu.memory_space<hbm>> -> memref<16x512xf32, #tpu.memory_space<hbm>>
      tpu.wait_dma2 semaphore(%arg9 : memref<!tpu.dma_semaphore, #tpu.memory_space<semaphore_mem>>) src(%dma_wait3A_145 : memref<16x512xf32, #tpu.memory_space<hbm>>) dst(%dma_wait3A_142 : memref<16x512xf32, #tpu.memory_space<vmem>>)
      %dma_wait3A_146 = arith.constant 1 : i32
      %dma_wait3A_147 = arith.constant 0 : i32
      %dma_wait3A_148 = arith.constant 0 : i32
      %dma_wait3A_149 = tpu.memref_slice %arg6[%dma_wait3A_146, %dma_wait3A_147, %dma_wait3A_148] : memref<2x16x512xi32, #tpu.memory_space<vmem>> -> memref<1x16x512xi32, #tpu.memory_space<vmem>>
      %dma_wait3A_150 = tpu.memref_squeeze %dma_wait3A_149 : memref<1x16x512xi32, #tpu.memory_space<vmem>> -> memref<16x512xi32, #tpu.memory_space<vmem>>
      %dma_wait3A_151 = arith.constant 0 : i32
      %dma_wait3A_152 = tpu.memref_slice %arg3[%arg1, %add3A_130, %dma_wait3A_151] : memref<16x512x512xi32, #tpu.memory_space<hbm>> -> memref<1x16x512xi32, #tpu.memory_space<hbm>>
      %dma_wait3A_153 = tpu.memref_squeeze %dma_wait3A_152 : memref<1x16x512xi32, #tpu.memory_space<hbm>> -> memref<16x512xi32, #tpu.memory_space<hbm>>
      %dma_wait3A_154 = arith.constant 0 : i32
      %dma_wait3A_155 = arith.constant 0 : i32
      %dma_wait3A_156 = tpu.memref_slice %arg6[%dma_wait3A_146, %dma_wait3A_154, %dma_wait3A_155] : memref<2x16x512xi32, #tpu.memory_space<vmem>> -> memref<1x16x512xi32, #tpu.memory_space<vmem>>
      %dma_wait3A_157 = tpu.memref_squeeze %dma_wait3A_156 : memref<1x16x512xi32, #tpu.memory_space<vmem>> -> memref<16x512xi32, #tpu.memory_space<vmem>>
      %dma_wait3A_158 = arith.constant 0 : i32
      %dma_wait3A_159 = tpu.memref_slice %arg3[%arg1, %add3A_130, %dma_wait3A_158] : memref<16x512x512xi32, #tpu.memory_space<hbm>> -> memref<1x16x512xi32, #tpu.memory_space<hbm>>
      %dma_wait3A_160 = tpu.memref_squeeze %dma_wait3A_159 : memref<1x16x512xi32, #tpu.memory_space<hbm>> -> memref<16x512xi32, #tpu.memory_space<hbm>>
      tpu.wait_dma2 semaphore(%arg11 : memref<!tpu.dma_semaphore, #tpu.memory_space<semaphore_mem>>) src(%dma_wait3A_160 : memref<16x512xi32, #tpu.memory_space<hbm>>) dst(%dma_wait3A_157 : memref<16x512xi32, #tpu.memory_space<vmem>>)
      %parallel_loop3A_161 = arith.constant 0 : i32
      %parallel_loop3A_162 = arith.constant 512 : i32
      %parallel_loop3A_163 = arith.constant 1 : i32
      scf.for %parallel_loop3A_169 = %parallel_loop3A_161 to %parallel_loop3A_162 step %parallel_loop3A_163  : i32 {
        %parallel_loop3A_170 = arith.constant 32 : i32
        %parallel_loop3A_171 = arith.divsi %parallel_loop3A_169, %parallel_loop3A_170 : i32
        %parallel_loop3A_172 = arith.constant 0 : i32
        %parallel_loop3A_173 = arith.cmpi sgt, %parallel_loop3A_169, %parallel_loop3A_172 : i32
        %parallel_loop3A_174 = arith.extui %parallel_loop3A_173 : i1 to i32
        %parallel_loop3A_175 = arith.constant 0 : i32
        %parallel_loop3A_176 = arith.cmpi slt, %parallel_loop3A_169, %parallel_loop3A_175 : i32
        %parallel_loop3A_177 = arith.extui %parallel_loop3A_176 : i1 to i32
        %parallel_loop3A_178 = arith.subi %parallel_loop3A_174, %parallel_loop3A_177 : i32
        %parallel_loop3A_179 = arith.constant 0 : i32
        %parallel_loop3A_180 = arith.cmpi sgt, %parallel_loop3A_170, %parallel_loop3A_179 : i32
        %parallel_loop3A_181 = arith.extui %parallel_loop3A_180 : i1 to i32
        %parallel_loop3A_182 = arith.constant 0 : i32
        %parallel_loop3A_183 = arith.cmpi slt, %parallel_loop3A_170, %parallel_loop3A_182 : i32
        %parallel_loop3A_184 = arith.extui %parallel_loop3A_183 : i1 to i32
        %parallel_loop3A_185 = arith.subi %parallel_loop3A_181, %parallel_loop3A_184 : i32
        %parallel_loop3A_186 = arith.cmpi ne, %parallel_loop3A_178, %parallel_loop3A_185 : i32
        %parallel_loop3A_187 = arith.remsi %parallel_loop3A_169, %parallel_loop3A_170 : i32
        %parallel_loop3A_188 = arith.constant 0 : i32
        %parallel_loop3A_189 = arith.cmpi ne, %parallel_loop3A_187, %parallel_loop3A_188 : i32
        %parallel_loop3A_190 = arith.andi %parallel_loop3A_186, %parallel_loop3A_189 : i1
        %parallel_loop3A_191 = arith.constant 1 : i32
        %parallel_loop3A_192 = arith.subi %parallel_loop3A_171, %parallel_loop3A_191 : i32
        %parallel_loop3A_193 = arith.select %parallel_loop3A_190, %parallel_loop3A_192, %parallel_loop3A_171 : i32
        %parallel_loop3A_194 = arith.constant 32 : i32
        %parallel_loop3A_195 = arith.constant 0 : i32
        %parallel_loop3A_196 = arith.cmpi eq, %parallel_loop3A_194, %parallel_loop3A_195 : i32
        %parallel_loop3A_197 = arith.constant 1 : i32
        %parallel_loop3A_198 = arith.select %parallel_loop3A_196, %parallel_loop3A_197, %parallel_loop3A_194 : i32
        %parallel_loop3A_199 = arith.remsi %parallel_loop3A_169, %parallel_loop3A_198 : i32
        %parallel_loop3A_200 = arith.constant 0 : i32
        %parallel_loop3A_201 = arith.cmpi ne, %parallel_loop3A_199, %parallel_loop3A_200 : i32
        %parallel_loop3A_202 = arith.constant 0 : i32
        %parallel_loop3A_203 = arith.cmpi slt, %parallel_loop3A_199, %parallel_loop3A_202 : i32
        %parallel_loop3A_204 = arith.constant 0 : i32
        %parallel_loop3A_205 = arith.cmpi slt, %parallel_loop3A_198, %parallel_loop3A_204 : i32
        %parallel_loop3A_206 = arith.xori %parallel_loop3A_203, %parallel_loop3A_205 : i1
        %parallel_loop3A_207 = arith.andi %parallel_loop3A_206, %parallel_loop3A_201 : i1
        %parallel_loop3A_208 = arith.addi %parallel_loop3A_199, %parallel_loop3A_198 : i32
        %parallel_loop3A_209 = arith.select %parallel_loop3A_207, %parallel_loop3A_208, %parallel_loop3A_199 : i32
        %parallel_loop3A_210 = arith.constant 16 : i32
        %parallel_loop3A_211 = arith.muli %parallel_loop3A_209, %parallel_loop3A_210 : i32
        %parallel_loop3A_212 = arith.constant 1 : i32
        %parallel_loop3A_213 = arith.index_cast %parallel_loop3A_212 : i32 to index
        %parallel_loop3A_214 = arith.index_cast %parallel_loop3A_193 : i32 to index
        %parallel_loop3A_215 = arith.index_cast %parallel_loop3A_211 : i32 to index
        %parallel_loop3A_216 = tpu.vector_load %arg5[%parallel_loop3A_213, %parallel_loop3A_214, %parallel_loop3A_215] {strides = array<i32>} : memref<2x16x512xf32, #tpu.memory_space<vmem>>, vector<16xf32>,
        %parallel_loop3A_217 = arith.constant 1 : i32
        %parallel_loop3A_218 = arith.index_cast %parallel_loop3A_217 : i32 to index
        %parallel_loop3A_219 = arith.index_cast %parallel_loop3A_193 : i32 to index
        %parallel_loop3A_220 = arith.index_cast %parallel_loop3A_211 : i32 to index
        %parallel_loop3A_221 = tpu.vector_load %arg6[%parallel_loop3A_218, %parallel_loop3A_219, %parallel_loop3A_220] {strides = array<i32>} : memref<2x16x512xi32, #tpu.memory_space<vmem>>, vector<16xi32>,
        %parallel_loop3A_222 = vector.bitcast %parallel_loop3A_216 : vector<16xf32> to vector<16xi32>
        %parallel_loop3A_223 = arith.constant 31 : i32
        %parallel_loop3A_224 = vector.broadcast %parallel_loop3A_223 : i32 to vector<16xi32>
        %parallel_loop3A_225 = arith.shli %parallel_loop3A_221, %parallel_loop3A_224 : vector<16xi32>
        %parallel_loop3A_226 = arith.xori %parallel_loop3A_222, %parallel_loop3A_225 : vector<16xi32>
        %parallel_loop3A_227 = vector.bitcast %parallel_loop3A_226 : vector<16xi32> to vector<16xf32>
        %parallel_loop3A_228 = vector.broadcast %scan3A_76 : f32 to vector<16xf32>
        %parallel_loop3A_229 = arith.mulf %parallel_loop3A_227, %parallel_loop3A_228 : vector<16xf32>
        %parallel_loop3A_230 = vector.broadcast %scan3A_77 : f32 to vector<16xf32>
        %parallel_loop3A_231 = arith.addf %parallel_loop3A_229, %parallel_loop3A_230 : vector<16xf32>
        %parallel_loop3A_232 = arith.fptosi %parallel_loop3A_231 : vector<16xf32> to vector<16xi32>
        %parallel_loop3A_233 = vector.bitcast %parallel_loop3A_232 : vector<16xi32> to vector<16xi32>
        %parallel_loop3A_234 = arith.minui %parallel_loop3A_233, %broadcast_in_dim3A_74 : vector<16xi32>
        %parallel_loop3A_235 = vector.bitcast %parallel_loop3A_234 : vector<16xi32> to vector<16xi32>
        %parallel_loop3A_236 = arith.constant 13 : i32
        %parallel_loop3A_237 = vector.broadcast %parallel_loop3A_236 : i32 to vector<16xi32>
        %parallel_loop3A_238 = arith.shli %parallel_loop3A_221, %parallel_loop3A_237 : vector<16xi32>
        %parallel_loop3A_239 = arith.addi %parallel_loop3A_235, %parallel_loop3A_238 : vector<16xi32>
        tpu.vector_store_idx %arg7[%parallel_loop3A_239], %broadcast_in_dim3A_72 {add = true} : memref<16384xf32, #tpu.memory_space<vmem>>[vector<16xi32>], vector<16xf32>,
      } {sc.loop_unroll_factor = 8 : i64, sc.parallel_access}
      %lt3A_164 = arith.constant 7 : i32
      %lt3A_165 = arith.cmpi slt, %scan3A_83, %lt3A_164 : i32
      %convert_element_type3A_166 = arith.extui %lt3A_165 : i1 to i32
      %cond3A_167 = arith.constant 0 : i32
      %cond3A_168 = arith.cmpi ne, %convert_element_type3A_166, %cond3A_167 : i32
      scf.if %cond3A_168 {
        %add3A_169 = arith.constant 2 : i32
        %add3A_170 = arith.addi %add3A_127, %add3A_169 : i32
        %mul3A_171 = arith.constant 16 : i32
        %mul3A_172 = arith.muli %add3A_170, %mul3A_171 : i32
        %add3A_173 = arith.addi %mul3A_0, %mul3A_172 : i32
        %dma_start3A_174 = arith.constant 1 : i32
        %dma_start3A_175 = arith.constant 0 : i32
        %dma_start3A_176 = arith.constant 0 : i32
        %dma_start3A_177 = tpu.memref_slice %arg5[%dma_start3A_174, %dma_start3A_175, %dma_start3A_176] : memref<2x16x512xf32, #tpu.memory_space<vmem>> -> memref<1x16x512xf32, #tpu.memory_space<vmem>>
        %dma_start3A_178 = tpu.memref_squeeze %dma_start3A_177 : memref<1x16x512xf32, #tpu.memory_space<vmem>> -> memref<16x512xf32, #tpu.memory_space<vmem>>
        %dma_start3A_179 = arith.constant 0 : i32
        %dma_start3A_180 = tpu.memref_slice %arg2[%arg1, %add3A_173, %dma_start3A_179] : memref<16x512x512xf32, #tpu.memory_space<hbm>> -> memref<1x16x512xf32, #tpu.memory_space<hbm>>
        %dma_start3A_181 = tpu.memref_squeeze %dma_start3A_180 : memref<1x16x512xf32, #tpu.memory_space<hbm>> -> memref<16x512xf32, #tpu.memory_space<hbm>>
        %dma_start3A_182 = arith.constant 0 : i32
        %dma_start3A_183 = arith.constant 0 : i32
        %dma_start3A_184 = tpu.memref_slice %arg5[%dma_start3A_174, %dma_start3A_182, %dma_start3A_183] : memref<2x16x512xf32, #tpu.memory_space<vmem>> -> memref<1x16x512xf32, #tpu.memory_space<vmem>>
        %dma_start3A_185 = tpu.memref_squeeze %dma_start3A_184 : memref<1x16x512xf32, #tpu.memory_space<vmem>> -> memref<16x512xf32, #tpu.memory_space<vmem>>
        %dma_start3A_186 = arith.constant 0 : i32
        %dma_start3A_187 = tpu.memref_slice %arg2[%arg1, %add3A_173, %dma_start3A_186] : memref<16x512x512xf32, #tpu.memory_space<hbm>> -> memref<1x16x512xf32, #tpu.memory_space<hbm>>
        %dma_start3A_188 = tpu.memref_squeeze %dma_start3A_187 : memref<1x16x512xf32, #tpu.memory_space<hbm>> -> memref<16x512xf32, #tpu.memory_space<hbm>>
        tpu.enqueue_dma source(%dma_start3A_188 : memref<16x512xf32, #tpu.memory_space<hbm>>) target(%dma_start3A_185 : memref<16x512xf32, #tpu.memory_space<vmem>>) target_semaphore(%arg9 : memref<!tpu.dma_semaphore, #tpu.memory_space<semaphore_mem>>)
        %dma_start3A_189 = arith.constant 1 : i32
        %dma_start3A_190 = arith.constant 0 : i32
        %dma_start3A_191 = arith.constant 0 : i32
        %dma_start3A_192 = tpu.memref_slice %arg6[%dma_start3A_189, %dma_start3A_190, %dma_start3A_191] : memref<2x16x512xi32, #tpu.memory_space<vmem>> -> memref<1x16x512xi32, #tpu.memory_space<vmem>>
        %dma_start3A_193 = tpu.memref_squeeze %dma_start3A_192 : memref<1x16x512xi32, #tpu.memory_space<vmem>> -> memref<16x512xi32, #tpu.memory_space<vmem>>
        %dma_start3A_194 = arith.constant 0 : i32
        %dma_start3A_195 = tpu.memref_slice %arg3[%arg1, %add3A_173, %dma_start3A_194] : memref<16x512x512xi32, #tpu.memory_space<hbm>> -> memref<1x16x512xi32, #tpu.memory_space<hbm>>
        %dma_start3A_196 = tpu.memref_squeeze %dma_start3A_195 : memref<1x16x512xi32, #tpu.memory_space<hbm>> -> memref<16x512xi32, #tpu.memory_space<hbm>>
        %dma_start3A_197 = arith.constant 0 : i32
        %dma_start3A_198 = arith.constant 0 : i32
        %dma_start3A_199 = tpu.memref_slice %arg6[%dma_start3A_189, %dma_start3A_197, %dma_start3A_198] : memref<2x16x512xi32, #tpu.memory_space<vmem>> -> memref<1x16x512xi32, #tpu.memory_space<vmem>>
        %dma_start3A_200 = tpu.memref_squeeze %dma_start3A_199 : memref<1x16x512xi32, #tpu.memory_space<vmem>> -> memref<16x512xi32, #tpu.memory_space<vmem>>
        %dma_start3A_201 = arith.constant 0 : i32
        %dma_start3A_202 = tpu.memref_slice %arg3[%arg1, %add3A_173, %dma_start3A_201] : memref<16x512x512xi32, #tpu.memory_space<hbm>> -> memref<1x16x512xi32, #tpu.memory_space<hbm>>
        %dma_start3A_203 = tpu.memref_squeeze %dma_start3A_202 : memref<1x16x512xi32, #tpu.memory_space<hbm>> -> memref<16x512xi32, #tpu.memory_space<hbm>>
        tpu.enqueue_dma source(%dma_start3A_203 : memref<16x512xi32, #tpu.memory_space<hbm>>) target(%dma_start3A_200 : memref<16x512xi32, #tpu.memory_space<vmem>>) target_semaphore(%arg11 : memref<!tpu.dma_semaphore, #tpu.memory_space<semaphore_mem>>)
      } else {
      }
    }
    %scan3A_82 = arith.constant 8 : i32
    "tpu.region"() ({
      %run_scoped3A = tpu.sem_alloc : memref<!tpu.dma_semaphore, #tpu.memory_space<semaphore_mem>>
      %dma_start3A_83 = arith.constant 0 : i32
      %dma_start3A_84 = tpu.memref_slice %arg4[%arg0, %arg1, %dma_start3A_83] : memref<2x16x16384xf32, #tpu.memory_space<hbm>> -> memref<1x1x16384xf32, #tpu.memory_space<hbm>>
      %dma_start3A_85 = tpu.memref_squeeze %dma_start3A_84 : memref<1x1x16384xf32, #tpu.memory_space<hbm>> -> memref<16384xf32, #tpu.memory_space<hbm>>
      %dma_start3A_86 = arith.constant 0 : i32
      %dma_start3A_87 = tpu.memref_slice %arg4[%arg0, %arg1, %dma_start3A_86] : memref<2x16x16384xf32, #tpu.memory_space<hbm>> -> memref<1x1x16384xf32, #tpu.memory_space<hbm>>
      %dma_start3A_88 = tpu.memref_squeeze %dma_start3A_87 : memref<1x1x16384xf32, #tpu.memory_space<hbm>> -> memref<16384xf32, #tpu.memory_space<hbm>>
      tpu.enqueue_dma source(%arg7 : memref<16384xf32, #tpu.memory_space<vmem>>) target(%dma_start3A_88 : memref<16384xf32, #tpu.memory_space<hbm>>) target_semaphore(%run_scoped3A : memref<!tpu.dma_semaphore, #tpu.memory_space<semaphore_mem>>)
      %dma_wait3A = arith.constant 0 : i32
      %dma_wait3A_89 = tpu.memref_slice %arg4[%arg0, %arg1, %dma_wait3A] : memref<2x16x16384xf32, #tpu.memory_space<hbm>> -> memref<1x1x16384xf32, #tpu.memory_space<hbm>>
      %dma_wait3A_90 = tpu.memref_squeeze %dma_wait3A_89 : memref<1x1x16384xf32, #tpu.memory_space<hbm>> -> memref<16384xf32, #tpu.memory_space<hbm>>
      %dma_wait3A_91 = arith.constant 0 : i32
      %dma_wait3A_92 = tpu.memref_slice %arg4[%arg0, %arg1, %dma_wait3A_91] : memref<2x16x16384xf32, #tpu.memory_space<hbm>> -> memref<1x1x16384xf32, #tpu.memory_space<hbm>>
      %dma_wait3A_93 = tpu.memref_squeeze %dma_wait3A_92 : memref<1x1x16384xf32, #tpu.memory_space<hbm>> -> memref<16384xf32, #tpu.memory_space<hbm>>
      tpu.wait_dma2 semaphore(%run_scoped3A : memref<!tpu.dma_semaphore, #tpu.memory_space<semaphore_mem>>) src(%arg7 : memref<16384xf32, #tpu.memory_space<vmem>>) dst(%dma_wait3A_93 : memref<16384xf32, #tpu.memory_space<hbm>>)
      tpu.yield
    }) : () -> ()
    return
  }
}

module attributes {stable_mosaic.version = 14 : i64} {
  func.func @body(%arg0: memref<2x16x16384xf32, #tpu.memory_space<vmem>>, %arg1: memref<1x1xf32, #tpu.memory_space<smem>>) attributes {dimension_semantics = [], scalar_prefetch = 0 : i64, scratch_operands = 0 : i64, tpu.core_type = #tpu.core_type<tc>} {
    %get3A = arith.constant 0 : index
    %get3A_0 = arith.constant 0 : index
    %get3A_1 = arith.constant 0 : index
    %get3A_2 = vector.load %arg0[%get3A, %get3A_0, %get3A_1] : memref<2x16x16384xf32, #tpu.memory_space<vmem>>, vector<1x16x16384xf32>
    %get3A_3 = vector.shape_cast %get3A_2 : vector<1x16x16384xf32> to vector<16x16384xf32>
    %get3A_4 = arith.constant 1 : index
    %get3A_5 = arith.constant 0 : index
    %get3A_6 = arith.constant 0 : index
    %get3A_7 = vector.load %arg0[%get3A_4, %get3A_5, %get3A_6] : memref<2x16x16384xf32, #tpu.memory_space<vmem>>, vector<1x16x16384xf32>
    %get3A_8 = vector.shape_cast %get3A_7 : vector<1x16x16384xf32> to vector<16x16384xf32>
    %add3A = arith.addf %get3A_3, %get3A_8 : vector<16x16384xf32>
    %slice3A = vector.extract_strided_slice %add3A {offsets = [0, 0], sizes = [16, 8192], strides = [1, 1]} : vector<16x16384xf32> to vector<16x8192xf32>
    %slice3A_9 = vector.extract_strided_slice %add3A {offsets = [0, 8192], sizes = [16, 8192], strides = [1, 1]} : vector<16x16384xf32> to vector<16x8192xf32>
    %broadcast_in_dim3A = arith.constant 0.000000e+00 : f32
    %broadcast_in_dim3A_10 = vector.broadcast %broadcast_in_dim3A : f32 to vector<16x1xf32>
    %slice3A_11 = vector.extract_strided_slice %slice3A_9 {offsets = [0, 0], sizes = [16, 8191], strides = [1, 1]} : vector<16x8192xf32> to vector<16x8191xf32>
    %concatenate3A = tpu.concatenate %broadcast_in_dim3A_10, %slice3A_11 in 1 : vector<16x1xf32>, vector<16x8191xf32> -> vector<16x8192xf32>
    %add3A_12 = arith.addf %slice3A_9, %concatenate3A : vector<16x8192xf32>
    %broadcast_in_dim3A_13 = arith.constant 0.000000e+00 : f32
    %broadcast_in_dim3A_14 = vector.broadcast %broadcast_in_dim3A_13 : f32 to vector<16x2xf32>
    %slice3A_15 = vector.extract_strided_slice %add3A_12 {offsets = [0, 0], sizes = [16, 8190], strides = [1, 1]} : vector<16x8192xf32> to vector<16x8190xf32>
    %concatenate3A_16 = tpu.concatenate %broadcast_in_dim3A_14, %slice3A_15 in 1 : vector<16x2xf32>, vector<16x8190xf32> -> vector<16x8192xf32>
    %add3A_17 = arith.addf %add3A_12, %concatenate3A_16 : vector<16x8192xf32>
    %broadcast_in_dim3A_18 = arith.constant 0.000000e+00 : f32
    %broadcast_in_dim3A_19 = vector.broadcast %broadcast_in_dim3A_18 : f32 to vector<16x4xf32>
    %slice3A_20 = vector.extract_strided_slice %add3A_17 {offsets = [0, 0], sizes = [16, 8188], strides = [1, 1]} : vector<16x8192xf32> to vector<16x8188xf32>
    %concatenate3A_21 = tpu.concatenate %broadcast_in_dim3A_19, %slice3A_20 in 1 : vector<16x4xf32>, vector<16x8188xf32> -> vector<16x8192xf32>
    %add3A_22 = arith.addf %add3A_17, %concatenate3A_21 : vector<16x8192xf32>
    %broadcast_in_dim3A_23 = arith.constant 0.000000e+00 : f32
    %broadcast_in_dim3A_24 = vector.broadcast %broadcast_in_dim3A_23 : f32 to vector<16x8xf32>
    %slice3A_25 = vector.extract_strided_slice %add3A_22 {offsets = [0, 0], sizes = [16, 8184], strides = [1, 1]} : vector<16x8192xf32> to vector<16x8184xf32>
    %concatenate3A_26 = tpu.concatenate %broadcast_in_dim3A_24, %slice3A_25 in 1 : vector<16x8xf32>, vector<16x8184xf32> -> vector<16x8192xf32>
    %add3A_27 = arith.addf %add3A_22, %concatenate3A_26 : vector<16x8192xf32>
    %broadcast_in_dim3A_28 = arith.constant 0.000000e+00 : f32
    %broadcast_in_dim3A_29 = vector.broadcast %broadcast_in_dim3A_28 : f32 to vector<16x16xf32>
    %slice3A_30 = vector.extract_strided_slice %add3A_27 {offsets = [0, 0], sizes = [16, 8176], strides = [1, 1]} : vector<16x8192xf32> to vector<16x8176xf32>
    %concatenate3A_31 = tpu.concatenate %broadcast_in_dim3A_29, %slice3A_30 in 1 : vector<16x16xf32>, vector<16x8176xf32> -> vector<16x8192xf32>
    %add3A_32 = arith.addf %add3A_27, %concatenate3A_31 : vector<16x8192xf32>
    %broadcast_in_dim3A_33 = arith.constant 0.000000e+00 : f32
    %broadcast_in_dim3A_34 = vector.broadcast %broadcast_in_dim3A_33 : f32 to vector<16x32xf32>
    %slice3A_35 = vector.extract_strided_slice %add3A_32 {offsets = [0, 0], sizes = [16, 8160], strides = [1, 1]} : vector<16x8192xf32> to vector<16x8160xf32>
    %concatenate3A_36 = tpu.concatenate %broadcast_in_dim3A_34, %slice3A_35 in 1 : vector<16x32xf32>, vector<16x8160xf32> -> vector<16x8192xf32>
    %add3A_37 = arith.addf %add3A_32, %concatenate3A_36 : vector<16x8192xf32>
    %broadcast_in_dim3A_38 = arith.constant 0.000000e+00 : f32
    %broadcast_in_dim3A_39 = vector.broadcast %broadcast_in_dim3A_38 : f32 to vector<16x64xf32>
    %slice3A_40 = vector.extract_strided_slice %add3A_37 {offsets = [0, 0], sizes = [16, 8128], strides = [1, 1]} : vector<16x8192xf32> to vector<16x8128xf32>
    %concatenate3A_41 = tpu.concatenate %broadcast_in_dim3A_39, %slice3A_40 in 1 : vector<16x64xf32>, vector<16x8128xf32> -> vector<16x8192xf32>
    %add3A_42 = arith.addf %add3A_37, %concatenate3A_41 : vector<16x8192xf32>
    %broadcast_in_dim3A_43 = arith.constant 0.000000e+00 : f32
    %broadcast_in_dim3A_44 = vector.broadcast %broadcast_in_dim3A_43 : f32 to vector<16x128xf32>
    %slice3A_45 = vector.extract_strided_slice %add3A_42 {offsets = [0, 0], sizes = [16, 8064], strides = [1, 1]} : vector<16x8192xf32> to vector<16x8064xf32>
    %concatenate3A_46 = tpu.concatenate %broadcast_in_dim3A_44, %slice3A_45 in 1 : vector<16x128xf32>, vector<16x8064xf32> -> vector<16x8192xf32>
    %add3A_47 = arith.addf %add3A_42, %concatenate3A_46 : vector<16x8192xf32>
    %broadcast_in_dim3A_48 = arith.constant 0.000000e+00 : f32
    %broadcast_in_dim3A_49 = vector.broadcast %broadcast_in_dim3A_48 : f32 to vector<16x256xf32>
    %slice3A_50 = vector.extract_strided_slice %add3A_47 {offsets = [0, 0], sizes = [16, 7936], strides = [1, 1]} : vector<16x8192xf32> to vector<16x7936xf32>
    %concatenate3A_51 = tpu.concatenate %broadcast_in_dim3A_49, %slice3A_50 in 1 : vector<16x256xf32>, vector<16x7936xf32> -> vector<16x8192xf32>
    %add3A_52 = arith.addf %add3A_47, %concatenate3A_51 : vector<16x8192xf32>
    %broadcast_in_dim3A_53 = arith.constant 0.000000e+00 : f32
    %broadcast_in_dim3A_54 = vector.broadcast %broadcast_in_dim3A_53 : f32 to vector<16x512xf32>
    %slice3A_55 = vector.extract_strided_slice %add3A_52 {offsets = [0, 0], sizes = [16, 7680], strides = [1, 1]} : vector<16x8192xf32> to vector<16x7680xf32>
    %concatenate3A_56 = tpu.concatenate %broadcast_in_dim3A_54, %slice3A_55 in 1 : vector<16x512xf32>, vector<16x7680xf32> -> vector<16x8192xf32>
    %add3A_57 = arith.addf %add3A_52, %concatenate3A_56 : vector<16x8192xf32>
    %broadcast_in_dim3A_58 = arith.constant 0.000000e+00 : f32
    %broadcast_in_dim3A_59 = vector.broadcast %broadcast_in_dim3A_58 : f32 to vector<16x1024xf32>
    %slice3A_60 = vector.extract_strided_slice %add3A_57 {offsets = [0, 0], sizes = [16, 7168], strides = [1, 1]} : vector<16x8192xf32> to vector<16x7168xf32>
    %concatenate3A_61 = tpu.concatenate %broadcast_in_dim3A_59, %slice3A_60 in 1 : vector<16x1024xf32>, vector<16x7168xf32> -> vector<16x8192xf32>
    %add3A_62 = arith.addf %add3A_57, %concatenate3A_61 : vector<16x8192xf32>
    %broadcast_in_dim3A_63 = arith.constant 0.000000e+00 : f32
    %broadcast_in_dim3A_64 = vector.broadcast %broadcast_in_dim3A_63 : f32 to vector<16x2048xf32>
    %slice3A_65 = vector.extract_strided_slice %add3A_62 {offsets = [0, 0], sizes = [16, 6144], strides = [1, 1]} : vector<16x8192xf32> to vector<16x6144xf32>
    %concatenate3A_66 = tpu.concatenate %broadcast_in_dim3A_64, %slice3A_65 in 1 : vector<16x2048xf32>, vector<16x6144xf32> -> vector<16x8192xf32>
    %add3A_67 = arith.addf %add3A_62, %concatenate3A_66 : vector<16x8192xf32>
    %broadcast_in_dim3A_68 = arith.constant 0.000000e+00 : f32
    %broadcast_in_dim3A_69 = vector.broadcast %broadcast_in_dim3A_68 : f32 to vector<16x4096xf32>
    %slice3A_70 = vector.extract_strided_slice %add3A_67 {offsets = [0, 0], sizes = [16, 4096], strides = [1, 1]} : vector<16x8192xf32> to vector<16x4096xf32>
    %concatenate3A_71 = tpu.concatenate %broadcast_in_dim3A_69, %slice3A_70 in 1 : vector<16x4096xf32>, vector<16x4096xf32> -> vector<16x8192xf32>
    %add3A_72 = arith.addf %add3A_67, %concatenate3A_71 : vector<16x8192xf32>
    %broadcast_in_dim3A_73 = arith.constant 0.000000e+00 : f32
    %broadcast_in_dim3A_74 = vector.broadcast %broadcast_in_dim3A_73 : f32 to vector<16x1xf32>
    %slice3A_75 = vector.extract_strided_slice %slice3A {offsets = [0, 0], sizes = [16, 8191], strides = [1, 1]} : vector<16x8192xf32> to vector<16x8191xf32>
    %concatenate3A_76 = tpu.concatenate %broadcast_in_dim3A_74, %slice3A_75 in 1 : vector<16x1xf32>, vector<16x8191xf32> -> vector<16x8192xf32>
    %add3A_77 = arith.addf %slice3A, %concatenate3A_76 : vector<16x8192xf32>
    %broadcast_in_dim3A_78 = arith.constant 0.000000e+00 : f32
    %broadcast_in_dim3A_79 = vector.broadcast %broadcast_in_dim3A_78 : f32 to vector<16x2xf32>
    %slice3A_80 = vector.extract_strided_slice %add3A_77 {offsets = [0, 0], sizes = [16, 8190], strides = [1, 1]} : vector<16x8192xf32> to vector<16x8190xf32>
    %concatenate3A_81 = tpu.concatenate %broadcast_in_dim3A_79, %slice3A_80 in 1 : vector<16x2xf32>, vector<16x8190xf32> -> vector<16x8192xf32>
    %add3A_82 = arith.addf %add3A_77, %concatenate3A_81 : vector<16x8192xf32>
    %broadcast_in_dim3A_83 = arith.constant 0.000000e+00 : f32
    %broadcast_in_dim3A_84 = vector.broadcast %broadcast_in_dim3A_83 : f32 to vector<16x4xf32>
    %slice3A_85 = vector.extract_strided_slice %add3A_82 {offsets = [0, 0], sizes = [16, 8188], strides = [1, 1]} : vector<16x8192xf32> to vector<16x8188xf32>
    %concatenate3A_86 = tpu.concatenate %broadcast_in_dim3A_84, %slice3A_85 in 1 : vector<16x4xf32>, vector<16x8188xf32> -> vector<16x8192xf32>
    %add3A_87 = arith.addf %add3A_82, %concatenate3A_86 : vector<16x8192xf32>
    %broadcast_in_dim3A_88 = arith.constant 0.000000e+00 : f32
    %broadcast_in_dim3A_89 = vector.broadcast %broadcast_in_dim3A_88 : f32 to vector<16x8xf32>
    %slice3A_90 = vector.extract_strided_slice %add3A_87 {offsets = [0, 0], sizes = [16, 8184], strides = [1, 1]} : vector<16x8192xf32> to vector<16x8184xf32>
    %concatenate3A_91 = tpu.concatenate %broadcast_in_dim3A_89, %slice3A_90 in 1 : vector<16x8xf32>, vector<16x8184xf32> -> vector<16x8192xf32>
    %add3A_92 = arith.addf %add3A_87, %concatenate3A_91 : vector<16x8192xf32>
    %broadcast_in_dim3A_93 = arith.constant 0.000000e+00 : f32
    %broadcast_in_dim3A_94 = vector.broadcast %broadcast_in_dim3A_93 : f32 to vector<16x16xf32>
    %slice3A_95 = vector.extract_strided_slice %add3A_92 {offsets = [0, 0], sizes = [16, 8176], strides = [1, 1]} : vector<16x8192xf32> to vector<16x8176xf32>
    %concatenate3A_96 = tpu.concatenate %broadcast_in_dim3A_94, %slice3A_95 in 1 : vector<16x16xf32>, vector<16x8176xf32> -> vector<16x8192xf32>
    %add3A_97 = arith.addf %add3A_92, %concatenate3A_96 : vector<16x8192xf32>
    %broadcast_in_dim3A_98 = arith.constant 0.000000e+00 : f32
    %broadcast_in_dim3A_99 = vector.broadcast %broadcast_in_dim3A_98 : f32 to vector<16x32xf32>
    %slice3A_100 = vector.extract_strided_slice %add3A_97 {offsets = [0, 0], sizes = [16, 8160], strides = [1, 1]} : vector<16x8192xf32> to vector<16x8160xf32>
    %concatenate3A_101 = tpu.concatenate %broadcast_in_dim3A_99, %slice3A_100 in 1 : vector<16x32xf32>, vector<16x8160xf32> -> vector<16x8192xf32>
    %add3A_102 = arith.addf %add3A_97, %concatenate3A_101 : vector<16x8192xf32>
    %broadcast_in_dim3A_103 = arith.constant 0.000000e+00 : f32
    %broadcast_in_dim3A_104 = vector.broadcast %broadcast_in_dim3A_103 : f32 to vector<16x64xf32>
    %slice3A_105 = vector.extract_strided_slice %add3A_102 {offsets = [0, 0], sizes = [16, 8128], strides = [1, 1]} : vector<16x8192xf32> to vector<16x8128xf32>
    %concatenate3A_106 = tpu.concatenate %broadcast_in_dim3A_104, %slice3A_105 in 1 : vector<16x64xf32>, vector<16x8128xf32> -> vector<16x8192xf32>
    %add3A_107 = arith.addf %add3A_102, %concatenate3A_106 : vector<16x8192xf32>
    %broadcast_in_dim3A_108 = arith.constant 0.000000e+00 : f32
    %broadcast_in_dim3A_109 = vector.broadcast %broadcast_in_dim3A_108 : f32 to vector<16x128xf32>
    %slice3A_110 = vector.extract_strided_slice %add3A_107 {offsets = [0, 0], sizes = [16, 8064], strides = [1, 1]} : vector<16x8192xf32> to vector<16x8064xf32>
    %concatenate3A_111 = tpu.concatenate %broadcast_in_dim3A_109, %slice3A_110 in 1 : vector<16x128xf32>, vector<16x8064xf32> -> vector<16x8192xf32>
    %add3A_112 = arith.addf %add3A_107, %concatenate3A_111 : vector<16x8192xf32>
    %broadcast_in_dim3A_113 = arith.constant 0.000000e+00 : f32
    %broadcast_in_dim3A_114 = vector.broadcast %broadcast_in_dim3A_113 : f32 to vector<16x256xf32>
    %slice3A_115 = vector.extract_strided_slice %add3A_112 {offsets = [0, 0], sizes = [16, 7936], strides = [1, 1]} : vector<16x8192xf32> to vector<16x7936xf32>
    %concatenate3A_116 = tpu.concatenate %broadcast_in_dim3A_114, %slice3A_115 in 1 : vector<16x256xf32>, vector<16x7936xf32> -> vector<16x8192xf32>
    %add3A_117 = arith.addf %add3A_112, %concatenate3A_116 : vector<16x8192xf32>
    %broadcast_in_dim3A_118 = arith.constant 0.000000e+00 : f32
    %broadcast_in_dim3A_119 = vector.broadcast %broadcast_in_dim3A_118 : f32 to vector<16x512xf32>
    %slice3A_120 = vector.extract_strided_slice %add3A_117 {offsets = [0, 0], sizes = [16, 7680], strides = [1, 1]} : vector<16x8192xf32> to vector<16x7680xf32>
    %concatenate3A_121 = tpu.concatenate %broadcast_in_dim3A_119, %slice3A_120 in 1 : vector<16x512xf32>, vector<16x7680xf32> -> vector<16x8192xf32>
    %add3A_122 = arith.addf %add3A_117, %concatenate3A_121 : vector<16x8192xf32>
    %broadcast_in_dim3A_123 = arith.constant 0.000000e+00 : f32
    %broadcast_in_dim3A_124 = vector.broadcast %broadcast_in_dim3A_123 : f32 to vector<16x1024xf32>
    %slice3A_125 = vector.extract_strided_slice %add3A_122 {offsets = [0, 0], sizes = [16, 7168], strides = [1, 1]} : vector<16x8192xf32> to vector<16x7168xf32>
    %concatenate3A_126 = tpu.concatenate %broadcast_in_dim3A_124, %slice3A_125 in 1 : vector<16x1024xf32>, vector<16x7168xf32> -> vector<16x8192xf32>
    %add3A_127 = arith.addf %add3A_122, %concatenate3A_126 : vector<16x8192xf32>
    %broadcast_in_dim3A_128 = arith.constant 0.000000e+00 : f32
    %broadcast_in_dim3A_129 = vector.broadcast %broadcast_in_dim3A_128 : f32 to vector<16x2048xf32>
    %slice3A_130 = vector.extract_strided_slice %add3A_127 {offsets = [0, 0], sizes = [16, 6144], strides = [1, 1]} : vector<16x8192xf32> to vector<16x6144xf32>
    %concatenate3A_131 = tpu.concatenate %broadcast_in_dim3A_129, %slice3A_130 in 1 : vector<16x2048xf32>, vector<16x6144xf32> -> vector<16x8192xf32>
    %add3A_132 = arith.addf %add3A_127, %concatenate3A_131 : vector<16x8192xf32>
    %broadcast_in_dim3A_133 = arith.constant 0.000000e+00 : f32
    %broadcast_in_dim3A_134 = vector.broadcast %broadcast_in_dim3A_133 : f32 to vector<16x4096xf32>
    %slice3A_135 = vector.extract_strided_slice %add3A_132 {offsets = [0, 0], sizes = [16, 4096], strides = [1, 1]} : vector<16x8192xf32> to vector<16x4096xf32>
    %concatenate3A_136 = tpu.concatenate %broadcast_in_dim3A_134, %slice3A_135 in 1 : vector<16x4096xf32>, vector<16x4096xf32> -> vector<16x8192xf32>
    %add3A_137 = arith.addf %add3A_132, %concatenate3A_136 : vector<16x8192xf32>
    %sub3A = arith.subf %add3A_72, %slice3A_9 : vector<16x8192xf32>
    %sub3A_138 = arith.subf %add3A_137, %slice3A : vector<16x8192xf32>
    %slice3A_139 = vector.extract_strided_slice %add3A_72 {offsets = [0, 8191], sizes = [16, 1], strides = [1, 1]} : vector<16x8192xf32> to vector<16x1xf32>
    %sub3A_140 = vector.broadcast %slice3A_139 : vector<16x1xf32> to vector<16x8192xf32>
    %sub3A_141 = arith.subf %sub3A_140, %sub3A : vector<16x8192xf32>
    %mul3A = arith.mulf %sub3A_141, %slice3A : vector<16x8192xf32>
    %add3A_142 = vector.broadcast %slice3A_139 : vector<16x1xf32> to vector<16x8192xf32>
    %add3A_143 = arith.addf %add3A_142, %sub3A_138 : vector<16x8192xf32>
    %mul3A_144 = arith.mulf %slice3A_9, %add3A_143 : vector<16x8192xf32>
    %add3A_145 = arith.addf %mul3A, %mul3A_144 : vector<16x8192xf32>
    %add3A_146 = vector.broadcast %slice3A_139 : vector<16x1xf32> to vector<16x8192xf32>
    %add3A_147 = arith.addf %add3A_146, %sub3A_138 : vector<16x8192xf32>
    %add3A_148 = vector.broadcast %slice3A_139 : vector<16x1xf32> to vector<16x8192xf32>
    %add3A_149 = arith.addf %add3A_148, %add3A_137 : vector<16x8192xf32>
    %mul3A_150 = arith.mulf %add3A_147, %add3A_149 : vector<16x8192xf32>
    %max3A = arith.constant 1.000000e+00 : f32
    %max3A_151 = vector.broadcast %max3A : f32 to vector<16x8192xf32>
    %max3A_152 = arith.maximumf %mul3A_150, %max3A_151 : vector<16x8192xf32>
    %iota3A = tpu.iota {dimensions = array<i32: 1>} : vector<16x8192xi32>
    %convert_element_type3A = arith.sitofp %iota3A : vector<16x8192xi32> to vector<16x8192xf32>
    %add3A_153 = arith.constant 5.000000e-01 : f32
    %add3A_154 = vector.broadcast %add3A_153 : f32 to vector<16x8192xf32>
    %add3A_155 = arith.addf %convert_element_type3A, %add3A_154 : vector<16x8192xf32>
    %div3A = arith.constant 5.120000e+02 : f32
    %div3A_156 = vector.broadcast %div3A : f32 to vector<16x8192xf32>
    %div3A_157 = arith.divf %add3A_155, %div3A_156 : vector<16x8192xf32>
    %sub3A_158 = arith.constant 9.000000e+00 : f32
    %sub3A_159 = vector.broadcast %sub3A_158 : f32 to vector<16x8192xf32>
    %sub3A_160 = arith.subf %sub3A_159, %div3A_157 : vector<16x8192xf32>
    %max3A_161 = arith.constant 0.000000e+00 : f32
    %max3A_162 = vector.broadcast %max3A_161 : f32 to vector<16x8192xf32>
    %max3A_163 = arith.maximumf %sub3A_160, %max3A_162 : vector<16x8192xf32>
    %div3A_164 = arith.divf %add3A_145, %max3A_152 : vector<16x8192xf32>
    %mul3A_165 = arith.mulf %max3A_163, %div3A_164 : vector<16x8192xf32>
    %reduce_sum3A = vector.shape_cast %mul3A_165 : vector<16x8192xf32> to vector<1x16x8192xf32>
    %reduce_sum3A_166 = arith.constant dense<0.000000e+00> : vector<1xf32>
    %reduce_sum3A_167 = vector.multi_reduction <add>, %reduce_sum3A, %reduce_sum3A_166 [1, 2] : vector<1x16x8192xf32> to vector<1xf32>
    %reduce_sum3A_168 = vector.shape_cast %reduce_sum3A_167 : vector<1xf32> to vector<1x1x1xf32>
    %reduce_sum3A_169 = vector.extract %reduce_sum3A_168[0, 0, 0] : f32 from vector<1x1x1xf32>
    %div3A_170 = arith.constant 1.600000e+01 : f32
    %div3A_171 = arith.divf %reduce_sum3A_169, %div3A_170 : f32
    %swap3A = arith.constant 0 : index
    %swap3A_172 = arith.constant 0 : index
    %swap3A_173 = memref.load %arg1[%swap3A, %swap3A_172] : memref<1x1xf32, #tpu.memory_space<smem>>
    memref.store %div3A_171, %arg1[%swap3A, %swap3A_172] : memref<1x1xf32, #tpu.memory_space<smem>>
    return
  }
}

</mosaic_0001>

<sc_bundles>
// kernel: kernel.4.cloned.1.call-start
scs
__scs_entry_jumppad:
0x0: {  	(pc) =	sbr.rel $0x88, $3  }
0x1: {  	(tag) =	ssettag $0x0;
	lr =	simm.s32 $0x1  }
0x2: {  	[smem:$0x3F9F] =	sst lr;
	_ =	strace $0xD0000000  }
0x3: {  	_ = 	snop  }
0x4: {  	_ = 	snop  }
0x5: {  	_ = 	snop  }
0x6: {  	_ = 	snop  }
0x7: {  	_ = 	snop  }
__scs_overlays_trampoline_lowered:
0x8: {  	[smem:$0x3FAE] =	sst s0  }
0x9: {  	[smem:$0x3FAF] =	sst s1  }
0xa: {  	[smem:$0x3FB0] =	sst s2  }
0xb: {  	[smem:$0x3FB1] =	sst s3  }
0xc: {  	[smem:$0x3FB2] =	sst s4  }
0xd: {  	[smem:$0x3FB3] =	sst s5  }
0xe: {  	[smem:$0x3FB4] =	sst s6  }
0xf: {  	[smem:$0x3FB5] =	sst s7  }
0x10: {  	[smem:$0x3FB6] =	sst s8  }
0x11: {  	[smem:$0x3FB7] =	sst s9;
	s0 =	simm.s32 @!p0 $0x0  }
0x12: {  	s1 =	sld [smem:$0x3F9D];
	s0 =	simm.s32 @p0 $0x1  }
0x13: {  	[smem:$0x3FB8] =	sst s0;
	s0 =	simm.s32 @!p1 $0x0  }
0x14: {  	s2 =	sld [smem:$0x3F9C];
	s0 =	simm.s32 @p1 $0x1  }
0x15: {  	[smem:$0x3FB9] =	sst s0;
	s0 =	simm.s32 @!p2 $0x0  }
0x16: {  	s3 =	sld [smem:$0x3FDB];
	s0 =	simm.s32 @p2 $0x1  }
0x17: {  	s4 =	simm.s32 $0x1BF5;
	[smem:$0x3FBB] =	sst s0  }
0x18: {  	s0 =	sld [smem:$0x3F9E];
	_ =	swait.ge [sflag:s4], $0x0  }
0x19: {  	s7 =	sld [smem:$0x3F9F]  }
0x1a: {  	s8 =	sadd.s32 $0xFFFFE003, lr  }
0x1b: {  	s9 =	sadd.s32 $0xFFFFFEF7, lr;
	s5 =	simm.s32 $0xFFFFFFFF;
	p2 =	slt.u32 s8, $0xFFFFF086  }
0x1c: {  	p1 =	slt.u32 s9, $0xF7A;
	s5 =	simm.s32 @!p2 $0x0  }
0x1d: {  	s5 =	simm.s32 @p1 $0x1;
	p0 =	seq.s32 s7, s2  }
0x1e: {  	s7 =	smul.u32 @!p0 $0xF7A, s2;
	p2 =	seq.s32 @!p0 s5, $0x0  }
0x1f: {  	s9 =	smul.u32 $0xF7A, s1;
	s8 =	simm.s32 @!p0 $0x1BF5;
	p2 =	por !p2, p0  }
0x20: {  	[sflag:s8] =	ssyncset.s32 @!p0 $0xFFFFF086;
	s6 =	sadd.s32 @!p0 s3, s7;
	s7 =	simm.s32 @!p0 $0x108  }
0x21: {  	s3 =	sadd.s32 s3, s9;
	s6 =	sadd.s32 @!p0 $0x88, s6;
	s7 =	simm.s32 @p2 $0x1082  }
0x22: {  	[simem:s7], [sflag:s8] =	dma.local @!p0 [hbm:s6], $0xF7A  }
0x23: {  	s9 =	sor.u32 $0xD0000000, s2;
	s6 =	simm.s32 $0x108;
	_ =	swait.ge @!p0 [sflag:s8], $0x0  }
0x24: {  	s3 =	sadd.s32 $0x88, s3;
	s6 =	simm.s32 @!p1 $0x1082;
	[sflag:s4] =	ssyncset.s32 $0xFFFFF086  }
0x25: {  	[simem:s6], [sflag:s4] =	dma.local [hbm:s3], $0xF7A  }
0x26: {  	[smem:$0x3F9F] =	sst s1;
	(tag) =	ssettag s2;
	_ =	strace s9  }
0x27: {  	s1 =	sld [smem:$0x3FAF]  }
0x28: {  	s2 =	sld [smem:$0x3FB0]  }
0x29: {  	s4 =	sld [smem:$0x3FB2]  }
0x2a: {  	p0 =	seq.s32 s5, $0x0;
	s5 =	sld [smem:$0x3FB3]  }
0x2b: {  	s6 =	sld [smem:$0x3FB4]  }
0x2c: {  	s7 =	sld [smem:$0x3FB5]  }
0x2d: {  	s3 =	simm.s32 $0x108;
	s8 =	sld [smem:$0x3FB6]  }
0x2e: {  	s3 =	simm.s32 @!p0 $0x1082;
	s9 =	sld [smem:$0x3FB7]  }
0x2f: {  	lr =	sadd.s32 s0, s3;
	s0 =	sld [smem:$0x3FAE]  }
0x30: {  	s3 =	sld [smem:$0x3FB1]  }
0x31: {  	[smem:$0x3FBA] =	sst s10  }
0x32: {  	s10 =	sld [smem:$0x3FB8];
	_ =	sdelay $0x3  }
0x33: {  	p0 =	seq.s32 s10, $0x1;
	s10 =	sld [smem:$0x3FBA];
	_ =	sdelay $0x3  }
0x34: {  	[smem:$0x3FBA] =	sst s10  }
0x35: {  	s10 =	sld [smem:$0x3FB9];
	_ =	sdelay $0x3  }
0x36: {  	p1 =	seq.s32 s10, $0x1;
	s10 =	sld [smem:$0x3FBA];
	_ =	sdelay $0x3  }
0x37: {  	[smem:$0x3FBA] =	sst s10  }
0x38: {  	s10 =	sld [smem:$0x3FBB]  }
0x39: {  	_ = 	snop;
	(pc) =	sbr.ind lr, $3  }
0x3a: {  	_ = 	snop  }
0x3b: {  	_ = 	snop  }
0x3c: {  	p2 =	seq.s32 s10, $0x1;
	s10 =	sld [smem:$0x3FBA]  }
0x3d: {  	_ =	shalt  }
0x3e: {  	_ =	shalt  }
0x3f: {  	_ =	shalt  }
0x40: {  	_ =	shalt  }
0x41: {  	_ =	shalt  }
0x42: {  	_ =	shalt  }
0x43: {  	_ =	shalt  }
0x44: {  	_ =	shalt  }
0x45: {  	_ =	shalt  }
0x46: {  	_ =	shalt  }
0x47: {  	_ =	shalt  }
0x48: {  	_ =	shalt  }
0x49: {  	_ =	shalt  }
0x4a: {  	_ =	shalt  }
0x4b: {  	_ =	shalt  }
0x4c: {  	_ =	shalt  }
0x4d: {  	_ =	shalt  }
0x4e: {  	_ =	shalt  }
0x4f: {  	_ =	shalt  }
0x50: {  	_ =	shalt  }
0x51: {  	_ =	shalt  }
0x52: {  	_ =	shalt  }
0x53: {  	_ =	shalt  }
0x54: {  	_ =	shalt  }
0x55: {  	_ =	shalt  }
0x56: {  	_ =	shalt  }
0x57: {  	_ =	shalt  }
0x58: {  	_ =	shalt  }
0x59: {  	_ =	shalt  }
0x5a: {  	_ =	shalt  }
0x5b: {  	_ =	shalt  }
0x5c: {  	_ =	shalt  }
0x5d: {  	_ =	shalt  }
0x5e: {  	_ =	shalt  }
0x5f: {  	_ =	shalt  }
0x60: {  	_ =	shalt  }
0x61: {  	_ =	shalt  }
0x62: {  	_ =	shalt  }
0x63: {  	_ =	shalt  }
0x64: {  	_ =	shalt  }
0x65: {  	_ =	shalt  }
0x66: {  	_ =	shalt  }
0x67: {  	_ =	shalt  }
0x68: {  	_ =	shalt  }
0x69: {  	_ =	shalt  }
0x6a: {  	_ =	shalt  }
0x6b: {  	_ =	shalt  }
0x6c: {  	_ =	shalt  }
0x6d: {  	_ =	shalt  }
0x6e: {  	_ =	shalt  }
0x6f: {  	_ =	shalt  }
0x70: {  	_ =	shalt  }
0x71: {  	_ =	shalt  }
0x72: {  	_ =	shalt  }
0x73: {  	_ =	shalt  }
0x74: {  	_ =	shalt  }
0x75: {  	_ =	shalt  }
0x76: {  	_ =	shalt  }
0x77: {  	_ =	shalt  }
0x78: {  	_ =	shalt  }
0x79: {  	_ =	shalt  }
0x7a: {  	_ =	shalt  }
0x7b: {  	_ =	shalt  }
0x7c: {  	_ =	shalt  }
0x7d: {  	_ =	shalt  }
0x7e: {  	_ =	shalt  }
0x7f: {  	_ =	shalt  }
0x80: {  	_ =	shalt  }
0x81: {  	_ =	shalt  }
0x82: {  	_ =	shalt  }
0x83: {  	_ =	shalt  }
0x84: {  	_ =	shalt  }
0x85: {  	_ =	shalt  }
0x86: {  	_ =	shalt  }
0x87: {  	_ =	shalt  }
.Lfunc_end0:
.L_simem_size_0:
called_computation_lowered:
.L_overlay_start_0:
0x88: {  	s2 =	sld [smem:$0x3FD9]  }
0x89: {  	s3 =	sld [smem:$0x3FFE];
	_ =	sdelay $0x1  }
0x8a: {  	s1 =	srdreg.scid  }
0x8b: {  	s0 =	sand.u32 $0x1, s1  }
0x8c: {  	s17 =	sshll.u32 s0, $0xA;
	s2 =	sadd.s32 s3, s2  }
0x8d: {  	s2 =	sadd.s32 s2, s17  }
0x8e: {  	[smem:$0x3FC6] =	sst s2  }
0x8f: {  	_ = 	snop  }
0x90: {  	s2 =	sld [smem:$0x3FC9]  }
0x91: {  	s18 =	sld [smem:$0x3FC8];
	(tm) =	ssettm $0x1  }
0x92: {  	s4 =	sld [smem:$0x3FFB];
	_ =	sdelay $0x3  }
0x93: {  	_ =	strace s4  }
0x94: {  	s4 =	sld [smem:$0x3FFC];
	_ =	sdelay $0x3  }
0x95: {  	_ =	strace s4  }
0x96: {  	s4 =	sld [smem:$0x3FFD];
	_ =	sdelay $0x3  }
0x97: {  	_ =	strace s4  }
0x98: {  	_ =	strace $0x8FFFFFFF  }
0x99: {  	s19 =	sld [smem:$0x3FDB];
	_ =	sdelay $0x1  }
0x9a: {  	s5 =	simm.s32 $_scs_section_size  }
0x9b: {  	s6 =	simm.s32 $_size__tile_overlayer_lowered;
	s7 =	simm.s32 $_tile_overlayer_lowered  }
0x9c: {  	s22 =	simm.s32 $0x1BFF;
	s21 =	sshll.u32 s7, $0x1;
	s4 =	sadd.s32 s5, s19  }
0x9d: {  	s8 =	simm.s32 $0x0;
	s20 =	sshll.u32 s6, $0x1;
	s6 =	sadd.s32 s21, s4  }
0x9e: {  	[timem:s8], [sflag:s22] =	dma.local [hbm:s6], s20  }
0x9f: {  	_ =	swait.ge [sflag:s22], s20  }
0xa0: {  	s5 =	ssub.s32 $0x0, s20;
	[sflag:s22] =	ssyncset.done $0x0  }
0xa1: {  	[sflag:s22] =	ssyncadd.s32 s5;
	_ =	sdelay $0x1  }
0xa2: {  	s23 =	simm.s32 $0x1B8B  }
0xa3: {  	_ =	swait.ge [sflag:s23], $0x1  }
0xa4: {  	[sflag:s23] =	ssyncset.done $0x0  }
0xa5: {  	s25 =	simm.s32 $0x1B8E;
	s24 =	sld [smem:$0x3FFE];
	[sflag:s23] =	ssyncadd.s32 $0xFFFFFFFF  }
0xa6: {  	s26 =	simm.s32 $execute0_lowered;
	[smem:$0x3FD2] =	sst s25  }
0xa7: {  	s6 =	sshll.u32 s26, $0x1;
	_ =	strace $0x80000046;
	[dreg:$0x1] =	wrdreg $0xFFFFFFFF  }
0xa8: {  	s28 =	simm.s32 $_size_execute0_lowered;
	s4 =	sadd.s32 s4, s6;
	[dreg:$0x0] =	wrdreg $0x0  }
0xa9: {  	s6 =	sshll.u32 s28, $0x1;
	[dreg:$0x2] =	wrdreg s4  }
0xaa: {  	[dreg:$0x3] =	wrdreg s6  }
0xab: {  	[dreg:$0x4] =	wrdreg $0xC0  }
0xac: {  	_ =	task [dreg:s8], $0x5FFFF  }
0xad: {  	[dreg:$0x1] =	wrdreg $0xFFFFFFFF  }
0xae: {  	[dreg:$0x0] =	wrdreg $0x60  }
0xaf: {  	[dreg:$0x2] =	wrdreg s2  }
0xb0: {  	[dreg:$0x3] =	wrdreg s18  }
0xb1: {  	[dreg:$0x4] =	wrdreg s24  }
0xb2: {  	[dreg:$0x5] =	wrdreg $0x9  }
0xb3: {  	_ =	task.clear_ibuf [dreg:s8], $0x6FFFF;
	_ =	strace $0x90000046  }
0xb4: {  	s29 =	simm.s32 $0x9;
	_ =	strace $0x80000048  }
0xb5: {  	_ =	swait.ge [sflag:s29], $0x1  }
0xb6: {  	[sflag:s29] =	ssyncadd.s32 $0xFFFFFFFF  }
0xb7: {  	_ =	strace $0x90000048  }
0xb8: {  	_ =	sfence  }
0xb9: {  	s30 =	sld [smem:$0x0];
	_ =	sdelay $0x2  }
0xba: {  	s31 =	sshll.u32 s1, $0xD;
	s1 =	sshrl.u32 s1, $0x2  }
0xbb: {  	s3 =	sand.u32 $0x4000, s31;
	s1 =	sadd.s32 s1, s30  }
0xbc: {  	s0 =	sor.u32 s3, s0;
	s1 =	sshll.u32 s1, $0x11  }
0xbd: {  	s0 =	sor.u32 s1, s0  }
0xbe: {  	s0 =	sadd.s32 $0x8F2B, s0  }
0xbf: {  	[sflag:s0] =	ssyncadd.remote.s32 $0x1  }
0xc0: {  	_ =	sfence.sel $0xFFFF  }
0xc1: {  	[dreg:$0x0] =	wrdreg $0xFFFFFFFF;
	(pc) =	sbr.abs _section_cstart, $3  }
0xc2: {  	[dreg:$0x1] =	wrdreg $0xFFFFFFFF  }
0xc3: {  	_ =	task.clear_ibuf [dreg:s8], $0x2FFFF;
	_ =	strace $0x9FFFFFFF  }
0xc4: {  	(tm) =	ssettm $0x7FFFFFFF  }
0xc5: {  	_ =	shalt  }
tec
execute0_lowered:
.L_overlay_start_1:
0x0: {  	(tag) =	ssettag $0x1  }
0x1: {  	s1 =	rddreg [dreg:$0x0]  }
0x2: {  	s2 =	rddreg [dreg:$0x1]  }
0x3: {  	s0 =	rddreg [dreg:$0x2];
	s3 =	simm.s32 $0x0  }
0x4: {  	s4 =	srdreg.scid;
	s28 =	stileid.u32;
	s15 =	simm.s32 $0x2000  }
0x5: {  	s16 =	simm.s32 $0x6000;
	s17 =	simm.s32 $0x1;
	s18 =	simm.s32 $0x3  }
0x6: {  	s19 =	simm.s32 $0x8000;
	s20 =	simm.s32 $0x2;
	s21 =	simm.s32 $0x4  }
0x7: {  	s22 =	simm.s32 $0x80;
	s23 =	simm.s32 $0x400;
	s24 =	simm.s32 $0x5  }
0x8: {  	s25 =	simm.s32 $0x0;
	[smem:$0x7FF] =	sst s3;
	s6 =	sand.u32 $0x1, s4  }
0x9: {  	s5 =	sshll.u32 s28, $0x12;
	s31 =	sshll.u32 s28, $0xB;
	s12 =	sshll.u32 s28, $0x4  }
0xa: {  	_ =	strace $0x80000047;
	s7 =	sshll.u32 s6, $0xF;
	s8 =	ssub.s32 $0x2, s6  }
0xb: {  	s9 =	sshll.u32 s6, $0x11;
	s11 =	sshll.u32 s6, $0x8;
	s12 =	sand.u32 $0x70, s12  }
0xc: {  	s0 =	sadd.s32 s7, s0;
	s29 =	sshrl.u32 s8, $0x1;
	s9 =	sor.u32 s9, s5  }
.Ltmp0:
0xd: {  	s13 =	ssub.s32 s8, s29;
	s30 =	sshrl.u32 s9, $0x3;
	(pc) =	sbr.rel .LBB2_1-.Ltmp0, $4  }
0xe: {  	s9 =	sand.u32 $0x4000, s31;
	s6 =	sadd.s32 s1, s30;
	s7 =	sadd.s32 s2, s30  }
0xf: {  	s10 =	sor.u32 $0x400, s30;
	s0 =	sadd.s32 s9, s0;
	s13 =	smax.u32 s13, $0x1  }
0x10: {  	s8 =	sadd.s32 s1, s10;
	s9 =	sadd.s32 s2, s10;
	s0 =	sadd.s32 s12, s0  }
0x11: {  	v0 =	vimm.f32 $0.0e+00;
	v1 =	vimm.f32 $1.000000000e+00;
	s10 =	sor.u32 $0x20, s11;
	s11 =	sor.u32 $0x30, s11;
	s12 =	sadd.s32 $0x600, s0  }
.LBB2_10:
0x12: {  	s25 =	sadd.s32 $0x1, s25  }
0x13: {  	p0 =	sne.s32 s25, s13  }
.Ltmp1:
0x14: {  	_ = 	snop;
	(pc) =	sbr.rel @!p0 .LBB2_11-.Ltmp1, $4  }
0x15: {  	[hbm4b:s12+s22] =	stream.strided.scatter [tilespmem:s19], [sflag:$0x5], $0x4000, s23, s22, $0x38;
	[tilespmem:$0xC000] =	vst v63  }
0x16: {  	_ =	swait.ge [sflag:s24], $0x4000  }
0x17: {  	[sflag:s24] =	ssyncset.done $0x0  }
0x18: {  	[sflag:s24] =	ssyncadd.s32 $0xFFFFC000  }
.LBB2_1:
0x19: {  	[tilespmem:s3], [sflag:$0x1] =	stream.linear.gather [hbm4b:s6+s3], $0x2000, $0x38;
	[tilespmem:$0xC000] =	vst v63  }
0x1a: {  	s0 =	simm.s32 $0x4000  }
0x1b: {  	[tilespmem:s0], [sflag:$0x3] =	stream.linear.gather [hbm4b:s7+s3], $0x2000, $0x38;
	[tilespmem:$0xC000] =	vst v63  }
0x1c: {  	_ = 	snop  }
0x1d: {  	[tilespmem:s15], [sflag:$0x2] =	stream.linear.gather [hbm4b:s8+s3], $0x2000, $0x38;
	[tilespmem:$0xC000] =	vst v63  }
0x1e: {  	s26 =	simm.s32 $0x200;
	s0 =	simm.s32 $0x0  }
0x1f: {  	[tilespmem:s16], [sflag:$0x4] =	stream.linear.gather [hbm4b:s9+s3], $0x2000, $0x38;
	[tilespmem:$0xC000] =	vst v63  }
.LBB2_2:
0x20: {  	p0 =	sne.s32 s26, $0xFE00;
	[tilespmem:s0+$0x8070] =	vst v0  }
0x21: {  	[tilespmem:s0+$0x8000] =	vst v0  }
0x22: {  	[tilespmem:s0+$0x8010] =	vst v0  }
.Ltmp2:
0x23: {  	[tilespmem:s0+$0x8020] =	vst v0;
	(pc) =	sbr.rel @p0 .LBB2_2-.Ltmp2, $4  }
0x24: {  	[tilespmem:s0+$0x8030] =	vst v0  }
0x25: {  	[tilespmem:s0+$0x8040] =	vst v0  }
0x26: {  	[tilespmem:s0+$0x8050] =	vst v0  }
0x27: {  	[tilespmem:s0+$0x8060] =	vst v0;
	s0 =	sshra.s32 s26, $0x2;
	s26 =	sadd.s32 $0x200, s26  }
0x28: {  	[tilespmem:s0+$0x8070] =	vst v0  }
0x29: {  	[tilespmem:s0+$0x8000] =	vst v0  }
0x2a: {  	[tilespmem:s0+$0x8010] =	vst v0  }
0x2b: {  	[tilespmem:s0+$0x8020] =	vst v0  }
0x2c: {  	[tilespmem:s0+$0x8030] =	vst v0  }
0x2d: {  	[tilespmem:s0+$0x8040] =	vst v0  }
0x2e: {  	[tilespmem:s0+$0x8050] =	vst v0  }
0x2f: {  	s26 =	simm.s32 $0x0;
	[tilespmem:s0+$0x8060] =	vst v0;
	s28 =	simm.s32 $0x0  }
.LBB2_4:
0x30: {  	_ =	swait.ge [sflag:s17], $0x2000  }
0x31: {  	[sflag:s17] =	ssyncset.done $0x0  }
0x32: {  	s0 =	simm.s32 $0x0;
	s29 =	sand.u32 $0xC00, s26;
	[sflag:s17] =	ssyncadd.s32 $0xFFFFE000  }
0x33: {  	s30 =	simm.s32 $0x0;
	s0 =	sand.u32 $0x1000, s0;
	_ =	swait.ge [sflag:s18], $0x2000  }
0x34: {  	s0 =	sor.u32 s29, s0;
	s29 =	sand.u32 $0x380, s30;
	[sflag:s18] =	ssyncset.done $0x0  }
0x35: {  	s0 =	sor.u32 s29, s0;
	[sflag:s18] =	ssyncadd.s32 $0xFFFFE000  }
0x36: {  	v2 =	vld [tilespmem:s0+$0x4070]  }
0x37: {  	v3 =	vld [tilespmem:s0+$0x70]  }
0x38: {  	v4 =	vld [tilespmem:s0+$0x4000]  }
0x39: {  	v5 =	vld [tilespmem:s0+$0x4010]  }
0x3a: {  	v6 =	vld [tilespmem:s0+$0x4020]  }
0x3b: {  	v10 =	vld [tilespmem:s0+$0x4050]  }
0x3c: {  	v7 =	vld [tilespmem:s0+$0x4030]  }
0x3d: {  	v19 =	vld [tilespmem:s0+$0x20]  }
0x3e: {  	v8 =	vld [tilespmem:s0+$0x4040]  }
0x3f: {  	v13 =	vld [tilespmem:s0+$0x0];
	v9 =	vshll.u32 v2, $0x1F;
	v11 =	vshll.u32 v4, $0x1F  }
0x40: {  	v12 =	vshll.u32 v4, $0xD;
	v22 =	vshll.u32 v10, $0x1F;
	v4 =	vshll.u32 v10, $0xD;
	v10 =	vld [tilespmem:s0+$0x40]  }
0x41: {  	v14 =	vshll.u32 v5, $0x1F;
	v16 =	vshll.u32 v6, $0x1F;
	v3 =	vxor.u32 v3, v9;
	v9 =	vld [tilespmem:s0+$0x4060]  }
0x42: {  	v17 =	vld [tilespmem:s0+$0x10];
	v15 =	vshll.u32 v5, $0xD;
	v16 =	vxor.u32 v19, v16;
	v3 =	vmul.f32 $5.120000000e+02, v3  }
0x43: {  	v21 =	vld [tilespmem:s0+$0x30];
	v6 =	vshll.u32 v6, $0xD;
	v18 =	vshll.u32 v7, $0x1F;
	v16 =	vmul.f32 $5.120000000e+02, v16  }
0x44: {  	v7 =	vshll.u32 v7, $0xD;
	v11 =	vxor.u32 v13, v11;
	v13 =	vld [tilespmem:s0+$0x50];
	v3 =	vsub.f32 $4.096000000e+03, v3  }
0x45: {  	v20 =	vshll.u32 v8, $0x1F;
	v8 =	vshll.u32 v8, $0xD;
	v16 =	vsub.f32 $4.096000000e+03, v16  }
0x46: {  	v10 =	vxor.u32 v10, v20;
	v3 =	vtrunc.f32 v3;
	v23 =	vshll.u32 v9, $0x1F  }
0x47: {  	v5 =	vshll.u32 v9, $0xD;
	v9 =	vmul.f32 $5.120000000e+02, v11;
	v11 =	vxor.u32 v17, v14  }
0x48: {  	s14 =	simm.s32 $0x80;
	s29 =	simm.s32 $0x400;
	v17 =	vxor.u32 v21, v18;
	v10 =	vmul.f32 $5.120000000e+02, v10;
	v16 =	vtrunc.f32 v16  }
0x49: {  	s30 =	simm.s32 $0x20;
	s29 =	sand.u32 $0xC00, s29;
	v14 =	vld [tilespmem:s0+$0x60];
	v13 =	vxor.u32 v13, v22;
	s0 =	sand.u32 $0x1000, s14;
	v3 =	vcvt.f32.s32 v3;
	v11 =	vmul.f32 $5.120000000e+02, v11  }
0x4a: {  	v2 =	vshll.u32 v2, $0xD;
	v17 =	vmul.f32 $5.120000000e+02, v17;
	v13 =	vmul.f32 $5.120000000e+02, v13;
	s0 =	sor.u32 s29, s0;
	s29 =	sand.u32 $0x380, s30  }
0x4b: {  	v16 =	vcvt.f32.s32 v16;
	v9 =	vsub.f32 $4.096000000e+03, v9;
	v10 =	vsub.f32 $4.096000000e+03, v10;
	s0 =	sor.u32 s29, s0  }
0x4c: {  	v3 =	vmin.u32 v3, $0x1FFF;
	v11 =	vsub.f32 $4.096000000e+03, v11;
	v17 =	vsub.f32 $4.096000000e+03, v17;
	v18 =	vld [tilespmem:s0+$0x4070]  }
0x4d: {  	v13 =	vsub.f32 $4.096000000e+03, v13;
	v20 =	vld [tilespmem:s0+$0x4010];
	v9 =	vtrunc.f32 v9;
	v10 =	vtrunc.f32 v10  }
0x4e: {  	v21 =	vld [tilespmem:s0+$0x4020];
	v16 =	vmin.u32 v16, $0x1FFF;
	v11 =	vtrunc.f32 v11;
	v17 =	vtrunc.f32 v17  }
0x4f: {  	v22 =	vld [tilespmem:s0+$0x4030];
	v14 =	vxor.u32 v14, v23;
	v9 =	vcvt.f32.s32 v9;
	v13 =	vtrunc.f32 v13  }
0x50: {  	v24 =	vld [tilespmem:s0+$0x4040];
	v19 =	vor.u32 v2, v3;
	v10 =	vcvt.f32.s32 v10;
	v14 =	vmul.f32 $5.120000000e+02, v14  }
0x51: {  	v2 =	vld [tilespmem:s0+$0x70];
	v6 =	vor.u32 v6, v16;
	v3 =	vcvt.f32.s32 v11;
	v17 =	vcvt.f32.s32 v17  }
0x52: {  	v26 =	vld [tilespmem:s0+$0x4060];
	v13 =	vcvt.f32.s32 v13;
	v9 =	vmin.u32 v9, $0x1FFF;
	v10 =	vmin.u32 v10, $0x1FFF  }
0x53: {  	v27 =	vld [tilespmem:s0+$0x0];
	v14 =	vsub.f32 $4.096000000e+03, v14;
	v3 =	vmin.u32 v3, $0x1FFF;
	v17 =	vmin.u32 v17, $0x1FFF  }
0x54: {  	v29 =	vld [tilespmem:s0+$0x10];
	v23 =	vshll.u32 v18, $0x1F;
	v13 =	vmin.u32 v13, $0x1FFF;
	v9 =	vor.u32 v12, v9  }
0x55: {  	v16 =	vld [tilespmem:s0+$0x20];
	v25 =	vshll.u32 v20, $0x1F;
	v20 =	vshll.u32 v20, $0xD;
	v28 =	vshll.u32 v21, $0x1F  }
0x56: {  	v21 =	vshll.u32 v21, $0xD;
	v30 =	vshll.u32 v22, $0x1F;
	v2 =	vxor.u32 v2, v23;
	v23 =	vld [tilespmem:s0+$0x4050]  }
0x57: {  	v22 =	vshll.u32 v22, $0xD;
	v11 =	vtrunc.f32 v14;
	v14 =	vld [tilespmem:s0+$0x4000];
	v2 =	vmul.f32 $5.120000000e+02, v2  }
0x58: {  	v34 =	vld [tilespmem:s0+$0x40];
	v31 =	vshll.u32 v24, $0x1F;
	v24 =	vshll.u32 v24, $0xD;
	v35 =	vshll.u32 v26, $0x1F  }
0x59: {  	v8 =	vor.u32 v8, v10;
	v15 =	vor.u32 v15, v3;
	v2 =	vsub.f32 $4.096000000e+03, v2  }
0x5a: {  	v7 =	vor.u32 v7, v17;
	v25 =	vxor.u32 v29, v25;
	v16 =	vxor.u32 v16, v28  }
0x5b: {  	v32 =	vld [tilespmem:s0+$0x30];
	v11 =	vcvt.f32.s32 v11;
	v3 =	vtrunc.f32 v2;
	v33 =	vshll.u32 v23, $0x1F  }
0x5c: {  	v17 =	vld [tilespmem:s0+$0x50];
	v2 =	vshll.u32 v23, $0xD;
	v12 =	vshll.u32 v14, $0x1F;
	v23 =	vcvt.f32.s32 v3  }
0x5d: {  	v18 =	vshll.u32 v18, $0xD;
	[tilespmem:v19+s19+$0x0] =	vst.idx.add.f32.msk $0xffff, v1;
	v19 =	vxor.u32 v34, v31;
	v12 =	vxor.u32 v27, v12  }
0x5e: {  	s31 =	simm.s32 $0x100;
	s29 =	simm.s32 $0x800;
	[tilespmem:v6+s19+$0x0] =	vst.idx.add.f32.msk $0xffff, v1;
	v11 =	vmin.u32 v11, $0x1FFF;
	v23 =	vmin.u32 v23, $0x1FFF;
	v12 =	vmul.f32 $5.120000000e+02, v12  }
0x5f: {  	s30 =	sand.u32 $0xC00, s29;
	v3 =	vshll.u32 v26, $0xD;
	v26 =	vld [tilespmem:s0+$0x60];
	s0 =	sand.u32 $0x1000, s31;
	s31 =	simm.s32 $0x40;
	v18 =	vor.u32 v18, v23;
	v23 =	vmul.f32 $5.120000000e+02, v25  }
0x60: {  	[tilespmem:v9+s19+$0x0] =	vst.idx.add.f32.msk $0xffff, v1;
	s0 =	sor.u32 s30, s0;
	s30 =	sand.u32 $0x380, s31;
	v10 =	vsub.f32 $4.096000000e+03, v12;
	v12 =	vmul.f32 $5.120000000e+02, v16;
	v16 =	vxor.u32 v32, v30  }
0x61: {  	[tilespmem:v15+s19+$0x0] =	vst.idx.add.f32.msk $0xffff, v1;
	v15 =	vmul.f32 $5.120000000e+02, v19;
	v5 =	vor.u32 v5, v11;
	s0 =	sor.u32 s30, s0;
	v16 =	vmul.f32 $5.120000000e+02, v16  }
0x62: {  	v17 =	vxor.u32 v17, v33;
	v11 =	vld [tilespmem:s0+$0x4000];
	v9 =	vsub.f32 $4.096000000e+03, v23;
	v12 =	vsub.f32 $4.096000000e+03, v12  }
0x63: {  	[tilespmem:v7+s19+$0x0] =	vst.idx.add.f32.msk $0xffff, v1;
	v7 =	vtrunc.f32 v10;
	v10 =	vsub.f32 $4.096000000e+03, v15;
	v6 =	vsub.f32 $4.096000000e+03, v16  }
0x64: {  	[tilespmem:v8+s19+$0x0] =	vst.idx.add.f32.msk $0xffff, v1;
	v16 =	vmul.f32 $5.120000000e+02, v17;
	v17 =	vxor.u32 v26, v35;
	v9 =	vtrunc.f32 v9  }
0x65: {  	v4 =	vor.u32 v4, v13;
	v13 =	vld [tilespmem:s0+$0x70];
	v7 =	vcvt.f32.s32 v7;
	v15 =	vmul.f32 $5.120000000e+02, v17  }
0x66: {  	v14 =	vshll.u32 v14, $0xD;
	[tilespmem:v18+s19+$0x0] =	vst.idx.add.f32.msk $0xffff, v1;
	v12 =	vtrunc.f32 v12;
	v8 =	vtrunc.f32 v10  }
0x67: {  	v18 =	vld [tilespmem:s0+$0x4070];
	v9 =	vcvt.f32.s32 v9;
	v56 =	vshll.u32 v11, $0x1F;
	v11 =	vshll.u32 v11, $0xD  }
0x68: {  	v23 =	vld [tilespmem:s0+$0x4030];
	v16 =	vsub.f32 $4.096000000e+03, v16;
	v6 =	vtrunc.f32 v6;
	v7 =	vmin.u32 v7, $0x1FFF  }
0x69: {  	v12 =	vcvt.f32.s32 v12;
	v8 =	vcvt.f32.s32 v8;
	v10 =	vsub.f32 $4.096000000e+03, v15  }
0x6a: {  	v26 =	vld [tilespmem:s0+$0x4040];
	v6 =	vcvt.f32.s32 v6;
	v17 =	vmin.u32 v9, $0x1FFF;
	v15 =	vtrunc.f32 v16  }
0x6b: {  	v27 =	vor.u32 v14, v7;
	v10 =	vtrunc.f32 v10;
	v9 =	vcvt.f32.s32 v15;
	v15 =	vld [tilespmem:s0+$0x4020]  }
0x6c: {  	v60 =	vld [tilespmem:s0+$0x10];
	v19 =	vmin.u32 v6, $0x1FFF;
	v6 =	vcvt.f32.s32 v10;
	v10 =	vshll.u32 v18, $0x1F  }
0x6d: {  	v61 =	vshll.u32 v23, $0x1F;
	v16 =	vld [tilespmem:s0+$0x4010];
	v25 =	vmin.u32 v8, $0x1FFF;
	v8 =	vxor.u32 v13, v10  }
0x6e: {  	v14 =	vld [tilespmem:s0+$0x4060];
	v12 =	vmin.u32 v12, $0x1FFF;
	v58 =	vor.u32 v20, v17;
	v8 =	vmul.f32 $5.120000000e+02, v8  }
0x6f: {  	v62 =	vor.u32 v21, v12;
	v63 =	vshll.u32 v26, $0x1F;
	v12 =	vshll.u32 v26, $0xD  }
0x70: {  	v20 =	vld [tilespmem:s0+$0x0];
	v59 =	vshll.u32 v15, $0x1F;
	v7 =	vshll.u32 v15, $0xD;
	v15 =	vsub.f32 $4.096000000e+03, v8  }
0x71: {  	v18 =	vshll.u32 v18, $0xD;
	v9 =	vmin.u32 v9, $0x1FFF;
	v13 =	vld [tilespmem:s0+$0x4050];
	v10 =	vmin.u32 v6, $0x1FFF  }
0x72: {  	v57 =	vshll.u32 v16, $0x1F;
	v8 =	vshll.u32 v23, $0xD;
	v23 =	vld [tilespmem:s0+$0x20];
	v15 =	vtrunc.f32 v15  }
0x73: {  	v26 =	vld [tilespmem:s0+$0x30];
	v17 =	vshll.u32 v14, $0x1F;
	v29 =	vxor.u32 v60, v57;
	v21 =	vcvt.f32.s32 v15  }
0x74: {  	v36 =	vld [tilespmem:s0+$0x40];
	v14 =	vshll.u32 v14, $0xD;
	v6 =	vshll.u32 v16, $0xD;
	v29 =	vmul.f32 $5.120000000e+02, v29  }
0x75: {  	v15 =	vor.u32 v22, v19;
	v19 =	vxor.u32 v20, v56;
	v20 =	vld [tilespmem:s0+$0x50];
	v22 =	vmin.u32 v21, $0x1FFF  }
0x76: {  	v16 =	vshll.u32 v13, $0x1F;
	v28 =	vmul.f32 $5.120000000e+02, v19;
	v21 =	vld [tilespmem:s0+$0x60];
	v19 =	vor.u32 v18, v22  }
0x77: {  	[tilespmem:v27+s19+$0x0] =	vst.idx.add.f32.msk $0xffff, v1;
	v13 =	vshll.u32 v13, $0xD;
	v23 =	vxor.u32 v23, v59;
	v18 =	vor.u32 v24, v25  }
0x78: {  	[tilespmem:v58+s19+$0x0] =	vst.idx.add.f32.msk $0xffff, v1;
	v22 =	vsub.f32 $4.096000000e+03, v28;
	v25 =	vmul.f32 $5.120000000e+02, v23;
	v24 =	vxor.u32 v26, v61  }
0x79: {  	s30 =	simm.s32 $0x10;
	[tilespmem:v62+s19+$0x0] =	vst.idx.add.f32.msk $0xffff, v1;
	v23 =	vsub.f32 $4.096000000e+03, v29;
	v26 =	vxor.u32 v36, v63;
	v24 =	vmul.f32 $5.120000000e+02, v24  }
.LBB2_5:
0x7a: {  	s30 =	sadd.s32 $0x8, s30;
	v25 =	vsub.f32 $4.096000000e+03, v25;
	v26 =	vmul.f32 $5.120000000e+02, v26;
	v16 =	vxor.u32 v20, v16;
	[tilespmem:v15+s19+$0x0] =	vst.idx.add.f32.msk $0xffff, v1  }
0x7b: {  	s29 =	sadd.s32 $0x400, s29;
	s0 =	sshll.u32 s30, $0x4;
	p0 =	slt.u32 s30, $0x1F8;
	v15 =	vsub.f32 $4.096000000e+03, v24;
	v16 =	vmul.f32 $5.120000000e+02, v16;
	v17 =	vxor.u32 v21, v17;
	[tilespmem:v19+s19+$0x0] =	vst.idx.add.f32.msk $0xffff, v1  }
0x7c: {  	s31 =	sand.u32 $0xC00, s29;
	s4 =	sshll.u32 s30, $0x2;
	v19 =	vtrunc.f32 v22;
	s0 =	sand.u32 $0x1000, s0;
	v20 =	vsub.f32 $4.096000000e+03, v26;
	v17 =	vmul.f32 $5.120000000e+02, v17;
	[tilespmem:v18+s19+$0x0] =	vst.idx.add.f32.msk $0xffff, v1  }
0x7d: {  	s4 =	sand.u32 $0x380, s4;
	v18 =	vtrunc.f32 v23;
	v21 =	vtrunc.f32 v25;
	s0 =	sor.u32 s31, s0;
	v16 =	vsub.f32 $4.096000000e+03, v16;
	[tilespmem:v4+s19+$0x0] =	vst.idx.add.f32.msk $0xffff, v1  }
0x7e: {  	v15 =	vtrunc.f32 v15;
	s31 =	sor.u32 s4, s0;
	v20 =	vtrunc.f32 v20;
	v17 =	vsub.f32 $4.096000000e+03, v17;
	[tilespmem:v5+s19+$0x0] =	vst.idx.add.f32.msk $0xffff, v1  }
0x7f: {  	v19 =	vcvt.f32.s32 v19;
	v4 =	vor.u32 v2, v9;
	v2 =	vmovc v13;
	v22 =	vld [tilespmem:s31+$0x4070];
	v16 =	vtrunc.f32 v16  }
0x80: {  	v9 =	vcvt.f32.s32 v18;
	v5 =	vor.u32 v3, v10;
	v3 =	vmovc v14;
	v13 =	vld [tilespmem:s31+$0x70];
	v17 =	vtrunc.f32 v17  }
0x81: {  	v18 =	vcvt.f32.s32 v21;
	v10 =	vmin.u32 v19, $0x1FFF;
	v15 =	vcvt.f32.s32 v15;
	v14 =	vld [tilespmem:s31+$0x4000]  }
0x82: {  	v21 =	vmin.u32 v9, $0x1FFF;
	v9 =	vcvt.f32.s32 v20;
	v16 =	vcvt.f32.s32 v16;
	v19 =	vld [tilespmem:s31+$0x4010]  }
0x83: {  	v18 =	vmin.u32 v18, $0x1FFF;
	v15 =	vmin.u32 v15, $0x1FFF;
	v17 =	vcvt.f32.s32 v17;
	v20 =	vld [tilespmem:s31+$0x4020]  }
0x84: {  	v25 =	vmin.u32 v9, $0x1FFF;
	v9 =	vmin.u32 v16, $0x1FFF;
	v23 =	vld [tilespmem:s31+$0x4030];
	v24 =	vshll.u32 v22, $0x1F  }
0x85: {  	v16 =	vld [tilespmem:s31+$0x4040];
	v13 =	vxor.u32 v13, v24;
	v24 =	vor.u32 v11, v10;
	v10 =	vmin.u32 v17, $0x1FFF  }
0x86: {  	v26 =	vshll.u32 v14, $0x1F;
	v11 =	vshll.u32 v14, $0xD;
	v14 =	vld [tilespmem:s31+$0x4050];
	v13 =	vmul.f32 $5.120000000e+02, v13  }
0x87: {  	v29 =	vor.u32 v6, v21;
	v27 =	vshll.u32 v19, $0x1F;
	v28 =	vld [tilespmem:s31+$0x4060];
	v6 =	vshll.u32 v19, $0xD  }
0x88: {  	v19 =	vld [tilespmem:s31+$0x0];
	v30 =	vshll.u32 v20, $0x1F;
	v17 =	vshll.u32 v20, $0xD;
	v13 =	vsub.f32 $4.096000000e+03, v13  }
0x89: {  	v32 =	vor.u32 v7, v18;
	v21 =	vld [tilespmem:s31+$0x10];
	v31 =	vshll.u32 v23, $0x1F;
	v20 =	vshll.u32 v23, $0xD;
	v7 =	vmovc v17  }
0x8a: {  	v18 =	vld [tilespmem:s31+$0x20];
	v33 =	vshll.u32 v16, $0x1F;
	v23 =	vshll.u32 v16, $0xD;
	v17 =	vtrunc.f32 v13  }
0x8b: {  	v34 =	vld [tilespmem:s31+$0x30];
	v16 =	vshll.u32 v14, $0x1F;
	v13 =	vshll.u32 v14, $0xD;
	v35 =	vcvt.f32.s32 v17  }
0x8c: {  	v15 =	vor.u32 v8, v15;
	v8 =	vmovc v20;
	v36 =	vld [tilespmem:s31+$0x40];
	v17 =	vshll.u32 v28, $0x1F;
	v14 =	vshll.u32 v28, $0xD  }
.Ltmp3:
0x8d: {  	v22 =	vshll.u32 v22, $0xD;
	v19 =	vxor.u32 v19, v26;
	v20 =	vld [tilespmem:s31+$0x50];
	v26 =	vmin.u32 v35, $0x1FFF;
	(pc) =	sbr.rel @p0 .LBB2_5-.Ltmp3, $4  }
0x8e: {  	v28 =	vmul.f32 $5.120000000e+02, v19;
	v27 =	vxor.u32 v21, v27;
	v21 =	vld [tilespmem:s31+$0x60];
	v19 =	vor.u32 v22, v26  }
0x8f: {  	v26 =	vmul.f32 $5.120000000e+02, v27;
	v27 =	vxor.u32 v18, v30;
	[tilespmem:v24+s19+$0x0] =	vst.idx.add.f32.msk $0xffff, v1;
	v18 =	vor.u32 v12, v25  }
0x90: {  	v12 =	vmovc v23;
	v22 =	vsub.f32 $4.096000000e+03, v28;
	v25 =	vmul.f32 $5.120000000e+02, v27;
	v24 =	vxor.u32 v34, v31;
	[tilespmem:v29+s19+$0x0] =	vst.idx.add.f32.msk $0xffff, v1  }
0x91: {  	v23 =	vsub.f32 $4.096000000e+03, v26;
	v24 =	vmul.f32 $5.120000000e+02, v24;
	v26 =	vxor.u32 v36, v33;
	[tilespmem:v32+s19+$0x0] =	vst.idx.add.f32.msk $0xffff, v1  }
0x92: {  	v25 =	vsub.f32 $4.096000000e+03, v25;
	v26 =	vmul.f32 $5.120000000e+02, v26  }
0x93: {  	v16 =	vxor.u32 v20, v16;
	v20 =	vtrunc.f32 v22;
	v2 =	vor.u32 v2, v9  }
0x94: {  	v3 =	vor.u32 v3, v10;
	v16 =	vmul.f32 $5.120000000e+02, v16;
	v17 =	vxor.u32 v21, v17  }
0x95: {  	v21 =	vsub.f32 $4.096000000e+03, v24;
	v22 =	vtrunc.f32 v23;
	v20 =	vcvt.f32.s32 v20  }
0x96: {  	v17 =	vmul.f32 $5.120000000e+02, v17;
	v23 =	vsub.f32 $4.096000000e+03, v26;
	v24 =	vtrunc.f32 v25  }
0x97: {  	v22 =	vcvt.f32.s32 v22;
	v16 =	vsub.f32 $4.096000000e+03, v16;
	v21 =	vtrunc.f32 v21  }
0x98: {  	[tilespmem:v15+s19+$0x0] =	vst.idx.add.f32.msk $0xffff, v1;
	v20 =	vmin.u32 v20, $0x1FFF;
	v24 =	vcvt.f32.s32 v24;
	v23 =	vtrunc.f32 v23  }
0x99: {  	[tilespmem:v19+s19+$0x0] =	vst.idx.add.f32.msk $0xffff, v1;
	v15 =	vcvt.f32.s32 v21;
	v21 =	vmin.u32 v22, $0x1FFF;
	v11 =	vor.u32 v11, v20  }
0x9a: {  	[tilespmem:v18+s19+$0x0] =	vst.idx.add.f32.msk $0xffff, v1;
	v17 =	vsub.f32 $4.096000000e+03, v17;
	v19 =	vcvt.f32.s32 v23;
	v20 =	vmin.u32 v24, $0x1FFF  }
0x9b: {  	[tilespmem:v4+s19+$0x0] =	vst.idx.add.f32.msk $0xffff, v1;
	v6 =	vor.u32 v6, v21;
	v4 =	vtrunc.f32 v16;
	v15 =	vmin.u32 v15, $0x1FFF  }
0x9c: {  	[tilespmem:v5+s19+$0x0] =	vst.idx.add.f32.msk $0xffff, v1;
	v7 =	vor.u32 v7, v20;
	v5 =	vtrunc.f32 v17;
	v4 =	vcvt.f32.s32 v4  }
0x9d: {  	[tilespmem:v2+s19+$0x0] =	vst.idx.add.f32.msk $0xffff, v1;
	v16 =	vmin.u32 v19, $0x1FFF;
	v8 =	vor.u32 v8, v15;
	v5 =	vcvt.f32.s32 v5  }
0x9e: {  	[tilespmem:v3+s19+$0x0] =	vst.idx.add.f32.msk $0xffff, v1;
	v12 =	vor.u32 v12, v16;
	v4 =	vmin.u32 v4, $0x1FFF  }
0x9f: {  	[tilespmem:v11+s19+$0x0] =	vst.idx.add.f32.msk $0xffff, v1;
	v5 =	vmin.u32 v5, $0x1FFF;
	v4 =	vor.u32 v13, v4  }
0xa0: {  	s29 =	sshll.u32 s28, $0x5;
	p0 =	seq.s32 s28, $0x7;
	[tilespmem:v6+s19+$0x0] =	vst.idx.add.f32.msk $0xffff, v1;
	v5 =	vor.u32 v14, v5  }
0xa1: {  	s0 =	sadd.s32 @!p0 s29, s10;
	[tilespmem:v7+s19+$0x0] =	vst.idx.add.f32.msk $0xffff, v1  }
0xa2: {  	s0 =	sshll.u32 @!p0 s0, $0x9;
	[tilespmem:v8+s19+$0x0] =	vst.idx.add.f32.msk $0xffff, v1  }
0xa3: {  	s0 =	sadd.s32 @!p0 s5, s0;
	[tilespmem:v12+s19+$0x0] =	vst.idx.add.f32.msk $0xffff, v1  }
0xa4: {  	s0 =	sshrl.u32 @!p0 s0, $0x3;
	[tilespmem:v4+s19+$0x0] =	vst.idx.add.f32.msk $0xffff, v1  }
0xa5: {  	s30 =	simm.s32 @!p0 $0x0;
	s4 =	sadd.s32 @!p0 s1, s0;
	[tilespmem:v5+s19+$0x0] =	vst.idx.add.f32.msk $0xffff, v1  }
0xa6: {  	[tilespmem:s30], [sflag:$0x1] =	stream.linear.gather @!p0 [hbm4b:s4+s30], $0x2000, $0x38;
	[tilespmem:$0xC000] =	vst v63  }
0xa7: {  	s0 =	sadd.s32 @!p0 s2, s0;
	s4 =	simm.s32 @!p0 $0x4000  }
0xa8: {  	[tilespmem:s4], [sflag:$0x3] =	stream.linear.gather @!p0 [hbm4b:s0+s30], $0x2000, $0x38;
	[tilespmem:$0xC000] =	vst v63  }
0xa9: {  	_ =	swait.ge [sflag:s20], $0x2000  }
0xaa: {  	s14 =	simm.s32 $0x0;
	[sflag:s20] =	ssyncset.done $0x0  }
0xab: {  	s0 =	simm.s32 $0x0;
	s4 =	sand.u32 $0x1000, s14;
	[sflag:s20] =	ssyncadd.s32 $0xFFFFE000  }
0xac: {  	s30 =	simm.s32 $0x0;
	s0 =	sand.u32 $0xC00, s0;
	_ =	swait.ge [sflag:s21], $0x2000  }
0xad: {  	s14 =	sand.u32 $0x380, s30;
	s0 =	sor.u32 s0, s4;
	[sflag:s21] =	ssyncset.done $0x0  }
0xae: {  	s0 =	sor.u32 s14, s0;
	[sflag:s21] =	ssyncadd.s32 $0xFFFFE000  }
0xaf: {  	v2 =	vld [tilespmem:s0+$0x6070]  }
0xb0: {  	v3 =	vld [tilespmem:s0+$0x2070]  }
0xb1: {  	v4 =	vld [tilespmem:s0+$0x6000]  }
0xb2: {  	v5 =	vld [tilespmem:s0+$0x6010]  }
0xb3: {  	v6 =	vld [tilespmem:s0+$0x6020]  }
0xb4: {  	v10 =	vld [tilespmem:s0+$0x6050]  }
0xb5: {  	v7 =	vld [tilespmem:s0+$0x6030]  }
0xb6: {  	v19 =	vld [tilespmem:s0+$0x2020]  }
0xb7: {  	v8 =	vld [tilespmem:s0+$0x6040]  }
0xb8: {  	v13 =	vld [tilespmem:s0+$0x2000];
	v9 =	vshll.u32 v2, $0x1F;
	v11 =	vshll.u32 v4, $0x1F  }
0xb9: {  	v12 =	vshll.u32 v4, $0xD;
	v22 =	vshll.u32 v10, $0x1F;
	v4 =	vshll.u32 v10, $0xD;
	v10 =	vld [tilespmem:s0+$0x2040]  }
0xba: {  	v14 =	vshll.u32 v5, $0x1F;
	v16 =	vshll.u32 v6, $0x1F;
	v3 =	vxor.u32 v3, v9;
	v9 =	vld [tilespmem:s0+$0x6060]  }
0xbb: {  	v17 =	vld [tilespmem:s0+$0x2010];
	v15 =	vshll.u32 v5, $0xD;
	v16 =	vxor.u32 v19, v16;
	v3 =	vmul.f32 $5.120000000e+02, v3  }
0xbc: {  	v21 =	vld [tilespmem:s0+$0x2030];
	v6 =	vshll.u32 v6, $0xD;
	v18 =	vshll.u32 v7, $0x1F;
	v16 =	vmul.f32 $5.120000000e+02, v16  }
0xbd: {  	v7 =	vshll.u32 v7, $0xD;
	v11 =	vxor.u32 v13, v11;
	v13 =	vld [tilespmem:s0+$0x2050];
	v3 =	vsub.f32 $4.096000000e+03, v3  }
0xbe: {  	v20 =	vshll.u32 v8, $0x1F;
	v8 =	vshll.u32 v8, $0xD;
	v16 =	vsub.f32 $4.096000000e+03, v16  }
0xbf: {  	v10 =	vxor.u32 v10, v20;
	v3 =	vtrunc.f32 v3;
	v23 =	vshll.u32 v9, $0x1F  }
0xc0: {  	v5 =	vshll.u32 v9, $0xD;
	v9 =	vmul.f32 $5.120000000e+02, v11;
	v11 =	vxor.u32 v17, v14  }
0xc1: {  	s4 =	simm.s32 $0x80;
	s14 =	simm.s32 $0x400;
	v17 =	vxor.u32 v21, v18;
	v10 =	vmul.f32 $5.120000000e+02, v10;
	v16 =	vtrunc.f32 v16  }
0xc2: {  	s30 =	simm.s32 $0x20;
	v14 =	vld [tilespmem:s0+$0x2060];
	v13 =	vxor.u32 v13, v22;
	s0 =	sand.u32 $0x1000, s4;
	s4 =	sand.u32 $0xC00, s14;
	v3 =	vcvt.f32.s32 v3;
	v11 =	vmul.f32 $5.120000000e+02, v11  }
0xc3: {  	v2 =	vshll.u32 v2, $0xD;
	s14 =	sand.u32 $0x380, s30;
	v17 =	vmul.f32 $5.120000000e+02, v17;
	v13 =	vmul.f32 $5.120000000e+02, v13;
	s0 =	sor.u32 s4, s0  }
0xc4: {  	v16 =	vcvt.f32.s32 v16;
	v9 =	vsub.f32 $4.096000000e+03, v9;
	v10 =	vsub.f32 $4.096000000e+03, v10;
	s0 =	sor.u32 s14, s0  }
0xc5: {  	v3 =	vmin.u32 v3, $0x1FFF;
	v11 =	vsub.f32 $4.096000000e+03, v11;
	v17 =	vsub.f32 $4.096000000e+03, v17;
	v18 =	vld [tilespmem:s0+$0x6070]  }
0xc6: {  	v13 =	vsub.f32 $4.096000000e+03, v13;
	v20 =	vld [tilespmem:s0+$0x6010];
	v9 =	vtrunc.f32 v9;
	v10 =	vtrunc.f32 v10  }
0xc7: {  	v21 =	vld [tilespmem:s0+$0x6020];
	v16 =	vmin.u32 v16, $0x1FFF;
	v11 =	vtrunc.f32 v11;
	v17 =	vtrunc.f32 v17  }
0xc8: {  	v22 =	vld [tilespmem:s0+$0x6030];
	v14 =	vxor.u32 v14, v23;
	v9 =	vcvt.f32.s32 v9;
	v13 =	vtrunc.f32 v13  }
0xc9: {  	v24 =	vld [tilespmem:s0+$0x6040];
	v19 =	vor.u32 v2, v3;
	v10 =	vcvt.f32.s32 v10;
	v14 =	vmul.f32 $5.120000000e+02, v14  }
0xca: {  	v2 =	vld [tilespmem:s0+$0x2070];
	v6 =	vor.u32 v6, v16;
	v3 =	vcvt.f32.s32 v11;
	v17 =	vcvt.f32.s32 v17  }
0xcb: {  	v26 =	vld [tilespmem:s0+$0x6060];
	v13 =	vcvt.f32.s32 v13;
	v9 =	vmin.u32 v9, $0x1FFF;
	v10 =	vmin.u32 v10, $0x1FFF  }
0xcc: {  	v27 =	vld [tilespmem:s0+$0x2000];
	v14 =	vsub.f32 $4.096000000e+03, v14;
	v3 =	vmin.u32 v3, $0x1FFF;
	v17 =	vmin.u32 v17, $0x1FFF  }
0xcd: {  	v29 =	vld [tilespmem:s0+$0x2010];
	v23 =	vshll.u32 v18, $0x1F;
	v13 =	vmin.u32 v13, $0x1FFF;
	v9 =	vor.u32 v12, v9  }
0xce: {  	v16 =	vld [tilespmem:s0+$0x2020];
	v25 =	vshll.u32 v20, $0x1F;
	v20 =	vshll.u32 v20, $0xD;
	v28 =	vshll.u32 v21, $0x1F  }
0xcf: {  	v21 =	vshll.u32 v21, $0xD;
	v30 =	vshll.u32 v22, $0x1F;
	v2 =	vxor.u32 v2, v23;
	v23 =	vld [tilespmem:s0+$0x6050]  }
0xd0: {  	v22 =	vshll.u32 v22, $0xD;
	v11 =	vtrunc.f32 v14;
	v14 =	vld [tilespmem:s0+$0x6000];
	v2 =	vmul.f32 $5.120000000e+02, v2  }
0xd1: {  	v34 =	vld [tilespmem:s0+$0x2040];
	v31 =	vshll.u32 v24, $0x1F;
	v24 =	vshll.u32 v24, $0xD;
	v35 =	vshll.u32 v26, $0x1F  }
0xd2: {  	v8 =	vor.u32 v8, v10;
	v15 =	vor.u32 v15, v3;
	v2 =	vsub.f32 $4.096000000e+03, v2  }
0xd3: {  	v7 =	vor.u32 v7, v17;
	v25 =	vxor.u32 v29, v25;
	v16 =	vxor.u32 v16, v28  }
0xd4: {  	v32 =	vld [tilespmem:s0+$0x2030];
	v11 =	vcvt.f32.s32 v11;
	v3 =	vtrunc.f32 v2;
	v33 =	vshll.u32 v23, $0x1F  }
0xd5: {  	v17 =	vld [tilespmem:s0+$0x2050];
	v2 =	vshll.u32 v23, $0xD;
	v12 =	vshll.u32 v14, $0x1F;
	v23 =	vcvt.f32.s32 v3  }
0xd6: {  	v18 =	vshll.u32 v18, $0xD;
	[tilespmem:v19+s19+$0x0] =	vst.idx.add.f32.msk $0xffff, v1;
	v19 =	vxor.u32 v34, v31;
	v12 =	vxor.u32 v27, v12  }
0xd7: {  	s30 =	simm.s32 $0x800;
	s4 =	simm.s32 $0x100;
	[tilespmem:v6+s19+$0x0] =	vst.idx.add.f32.msk $0xffff, v1;
	v11 =	vmin.u32 v11, $0x1FFF;
	v23 =	vmin.u32 v23, $0x1FFF;
	v12 =	vmul.f32 $5.120000000e+02, v12  }
0xd8: {  	s31 =	simm.s32 $0x40;
	s14 =	sand.u32 $0xC00, s30;
	v3 =	vshll.u32 v26, $0xD;
	v26 =	vld [tilespmem:s0+$0x2060];
	s0 =	sand.u32 $0x1000, s4;
	v18 =	vor.u32 v18, v23;
	v23 =	vmul.f32 $5.120000000e+02, v25  }
0xd9: {  	[tilespmem:v9+s19+$0x0] =	vst.idx.add.f32.msk $0xffff, v1;
	s0 =	sor.u32 s14, s0;
	s14 =	sand.u32 $0x380, s31;
	v10 =	vsub.f32 $4.096000000e+03, v12;
	v12 =	vmul.f32 $5.120000000e+02, v16;
	v16 =	vxor.u32 v32, v30  }
0xda: {  	[tilespmem:v15+s19+$0x0] =	vst.idx.add.f32.msk $0xffff, v1;
	v15 =	vmul.f32 $5.120000000e+02, v19;
	v5 =	vor.u32 v5, v11;
	s0 =	sor.u32 s14, s0;
	v16 =	vmul.f32 $5.120000000e+02, v16  }
0xdb: {  	v17 =	vxor.u32 v17, v33;
	v11 =	vld [tilespmem:s0+$0x6000];
	v9 =	vsub.f32 $4.096000000e+03, v23;
	v12 =	vsub.f32 $4.096000000e+03, v12  }
0xdc: {  	[tilespmem:v7+s19+$0x0] =	vst.idx.add.f32.msk $0xffff, v1;
	v7 =	vtrunc.f32 v10;
	v10 =	vsub.f32 $4.096000000e+03, v15;
	v6 =	vsub.f32 $4.096000000e+03, v16  }
0xdd: {  	[tilespmem:v8+s19+$0x0] =	vst.idx.add.f32.msk $0xffff, v1;
	v16 =	vmul.f32 $5.120000000e+02, v17;
	v17 =	vxor.u32 v26, v35;
	v9 =	vtrunc.f32 v9  }
0xde: {  	v4 =	vor.u32 v4, v13;
	v13 =	vld [tilespmem:s0+$0x2070];
	v7 =	vcvt.f32.s32 v7;
	v15 =	vmul.f32 $5.120000000e+02, v17  }
0xdf: {  	v14 =	vshll.u32 v14, $0xD;
	[tilespmem:v18+s19+$0x0] =	vst.idx.add.f32.msk $0xffff, v1;
	v12 =	vtrunc.f32 v12;
	v8 =	vtrunc.f32 v10  }
0xe0: {  	v18 =	vld [tilespmem:s0+$0x6070];
	v9 =	vcvt.f32.s32 v9;
	v56 =	vshll.u32 v11, $0x1F;
	v11 =	vshll.u32 v11, $0xD  }
0xe1: {  	v23 =	vld [tilespmem:s0+$0x6030];
	v16 =	vsub.f32 $4.096000000e+03, v16;
	v6 =	vtrunc.f32 v6;
	v7 =	vmin.u32 v7, $0x1FFF  }
0xe2: {  	v12 =	vcvt.f32.s32 v12;
	v8 =	vcvt.f32.s32 v8;
	v10 =	vsub.f32 $4.096000000e+03, v15  }
0xe3: {  	v26 =	vld [tilespmem:s0+$0x6040];
	v6 =	vcvt.f32.s32 v6;
	v17 =	vmin.u32 v9, $0x1FFF;
	v15 =	vtrunc.f32 v16  }
0xe4: {  	v27 =	vor.u32 v14, v7;
	v10 =	vtrunc.f32 v10;
	v9 =	vcvt.f32.s32 v15;
	v15 =	vld [tilespmem:s0+$0x6020]  }
0xe5: {  	v60 =	vld [tilespmem:s0+$0x2010];
	v19 =	vmin.u32 v6, $0x1FFF;
	v6 =	vcvt.f32.s32 v10;
	v10 =	vshll.u32 v18, $0x1F  }
0xe6: {  	v61 =	vshll.u32 v23, $0x1F;
	v16 =	vld [tilespmem:s0+$0x6010];
	v25 =	vmin.u32 v8, $0x1FFF;
	v8 =	vxor.u32 v13, v10  }
0xe7: {  	v14 =	vld [tilespmem:s0+$0x6060];
	v12 =	vmin.u32 v12, $0x1FFF;
	v58 =	vor.u32 v20, v17;
	v8 =	vmul.f32 $5.120000000e+02, v8  }
0xe8: {  	v62 =	vor.u32 v21, v12;
	v63 =	vshll.u32 v26, $0x1F;
	v12 =	vshll.u32 v26, $0xD  }
0xe9: {  	v20 =	vld [tilespmem:s0+$0x2000];
	v59 =	vshll.u32 v15, $0x1F;
	v7 =	vshll.u32 v15, $0xD;
	v15 =	vsub.f32 $4.096000000e+03, v8  }
0xea: {  	v18 =	vshll.u32 v18, $0xD;
	v9 =	vmin.u32 v9, $0x1FFF;
	v13 =	vld [tilespmem:s0+$0x6050];
	v10 =	vmin.u32 v6, $0x1FFF  }
0xeb: {  	v57 =	vshll.u32 v16, $0x1F;
	v8 =	vshll.u32 v23, $0xD;
	v23 =	vld [tilespmem:s0+$0x2020];
	v15 =	vtrunc.f32 v15  }
0xec: {  	v26 =	vld [tilespmem:s0+$0x2030];
	v17 =	vshll.u32 v14, $0x1F;
	v29 =	vxor.u32 v60, v57;
	v21 =	vcvt.f32.s32 v15  }
0xed: {  	v36 =	vld [tilespmem:s0+$0x2040];
	v14 =	vshll.u32 v14, $0xD;
	v6 =	vshll.u32 v16, $0xD;
	v29 =	vmul.f32 $5.120000000e+02, v29  }
0xee: {  	v15 =	vor.u32 v22, v19;
	v19 =	vxor.u32 v20, v56;
	v20 =	vld [tilespmem:s0+$0x2050];
	v22 =	vmin.u32 v21, $0x1FFF  }
0xef: {  	v16 =	vshll.u32 v13, $0x1F;
	v28 =	vmul.f32 $5.120000000e+02, v19;
	v21 =	vld [tilespmem:s0+$0x2060];
	v19 =	vor.u32 v18, v22  }
0xf0: {  	[tilespmem:v27+s19+$0x0] =	vst.idx.add.f32.msk $0xffff, v1;
	v13 =	vshll.u32 v13, $0xD;
	v23 =	vxor.u32 v23, v59;
	v18 =	vor.u32 v24, v25  }
0xf1: {  	[tilespmem:v58+s19+$0x0] =	vst.idx.add.f32.msk $0xffff, v1;
	v22 =	vsub.f32 $4.096000000e+03, v28;
	v25 =	vmul.f32 $5.120000000e+02, v23;
	v24 =	vxor.u32 v26, v61  }
0xf2: {  	s31 =	simm.s32 $0x10;
	[tilespmem:v62+s19+$0x0] =	vst.idx.add.f32.msk $0xffff, v1;
	v23 =	vsub.f32 $4.096000000e+03, v29;
	v26 =	vxor.u32 v36, v63;
	v24 =	vmul.f32 $5.120000000e+02, v24  }
.LBB2_7:
0xf3: {  	s31 =	sadd.s32 $0x8, s31;
	v25 =	vsub.f32 $4.096000000e+03, v25;
	v26 =	vmul.f32 $5.120000000e+02, v26;
	v16 =	vxor.u32 v20, v16;
	[tilespmem:v15+s19+$0x0] =	vst.idx.add.f32.msk $0xffff, v1  }
0xf4: {  	s30 =	sadd.s32 $0x400, s30;
	s0 =	sshll.u32 s31, $0x4;
	p1 =	slt.u32 s31, $0x1F8;
	v15 =	vsub.f32 $4.096000000e+03, v24;
	v16 =	vmul.f32 $5.120000000e+02, v16;
	v17 =	vxor.u32 v21, v17;
	[tilespmem:v19+s19+$0x0] =	vst.idx.add.f32.msk $0xffff, v1  }
0xf5: {  	s4 =	sand.u32 $0xC00, s30;
	s14 =	sshll.u32 s31, $0x2;
	v19 =	vtrunc.f32 v22;
	s0 =	sand.u32 $0x1000, s0;
	v20 =	vsub.f32 $4.096000000e+03, v26;
	v17 =	vmul.f32 $5.120000000e+02, v17;
	[tilespmem:v18+s19+$0x0] =	vst.idx.add.f32.msk $0xffff, v1  }
0xf6: {  	v18 =	vtrunc.f32 v23;
	v21 =	vtrunc.f32 v25;
	s0 =	sor.u32 s4, s0;
	s4 =	sand.u32 $0x380, s14;
	v16 =	vsub.f32 $4.096000000e+03, v16;
	[tilespmem:v4+s19+$0x0] =	vst.idx.add.f32.msk $0xffff, v1  }
0xf7: {  	v15 =	vtrunc.f32 v15;
	s0 =	sor.u32 s4, s0;
	v20 =	vtrunc.f32 v20;
	v17 =	vsub.f32 $4.096000000e+03, v17;
	[tilespmem:v5+s19+$0x0] =	vst.idx.add.f32.msk $0xffff, v1  }
0xf8: {  	v19 =	vcvt.f32.s32 v19;
	v4 =	vor.u32 v2, v9;
	v2 =	vmovc v13;
	v22 =	vld [tilespmem:s0+$0x6070];
	v16 =	vtrunc.f32 v16  }
0xf9: {  	v9 =	vcvt.f32.s32 v18;
	v5 =	vor.u32 v3, v10;
	v3 =	vmovc v14;
	v13 =	vld [tilespmem:s0+$0x2070];
	v17 =	vtrunc.f32 v17  }
0xfa: {  	v18 =	vcvt.f32.s32 v21;
	v10 =	vmin.u32 v19, $0x1FFF;
	v15 =	vcvt.f32.s32 v15;
	v14 =	vld [tilespmem:s0+$0x6000]  }
0xfb: {  	v21 =	vmin.u32 v9, $0x1FFF;
	v9 =	vcvt.f32.s32 v20;
	v16 =	vcvt.f32.s32 v16;
	v19 =	vld [tilespmem:s0+$0x6010]  }
0xfc: {  	v18 =	vmin.u32 v18, $0x1FFF;
	v15 =	vmin.u32 v15, $0x1FFF;
	v17 =	vcvt.f32.s32 v17;
	v20 =	vld [tilespmem:s0+$0x6020]  }
0xfd: {  	v25 =	vmin.u32 v9, $0x1FFF;
	v9 =	vmin.u32 v16, $0x1FFF;
	v23 =	vld [tilespmem:s0+$0x6030];
	v24 =	vshll.u32 v22, $0x1F  }
0xfe: {  	v16 =	vld [tilespmem:s0+$0x6040];
	v13 =	vxor.u32 v13, v24;
	v24 =	vor.u32 v11, v10;
	v10 =	vmin.u32 v17, $0x1FFF  }
0xff: {  	v26 =	vshll.u32 v14, $0x1F;
	v11 =	vshll.u32 v14, $0xD;
	v14 =	vld [tilespmem:s0+$0x6050];
	v13 =	vmul.f32 $5.120000000e+02, v13  }
0x100: {  	v29 =	vor.u32 v6, v21;
	v27 =	vshll.u32 v19, $0x1F;
	v28 =	vld [tilespmem:s0+$0x6060];
	v6 =	vshll.u32 v19, $0xD  }
0x101: {  	v19 =	vld [tilespmem:s0+$0x2000];
	v30 =	vshll.u32 v20, $0x1F;
	v17 =	vshll.u32 v20, $0xD;
	v13 =	vsub.f32 $4.096000000e+03, v13  }
0x102: {  	v32 =	vor.u32 v7, v18;
	v21 =	vld [tilespmem:s0+$0x2010];
	v31 =	vshll.u32 v23, $0x1F;
	v20 =	vshll.u32 v23, $0xD;
	v7 =	vmovc v17  }
0x103: {  	v18 =	vld [tilespmem:s0+$0x2020];
	v33 =	vshll.u32 v16, $0x1F;
	v23 =	vshll.u32 v16, $0xD;
	v17 =	vtrunc.f32 v13  }
0x104: {  	v34 =	vld [tilespmem:s0+$0x2030];
	v16 =	vshll.u32 v14, $0x1F;
	v13 =	vshll.u32 v14, $0xD;
	v35 =	vcvt.f32.s32 v17  }
0x105: {  	v15 =	vor.u32 v8, v15;
	v8 =	vmovc v20;
	v36 =	vld [tilespmem:s0+$0x2040];
	v17 =	vshll.u32 v28, $0x1F;
	v14 =	vshll.u32 v28, $0xD  }
.Ltmp4:
0x106: {  	v22 =	vshll.u32 v22, $0xD;
	v19 =	vxor.u32 v19, v26;
	v20 =	vld [tilespmem:s0+$0x2050];
	v26 =	vmin.u32 v35, $0x1FFF;
	(pc) =	sbr.rel @p1 .LBB2_7-.Ltmp4, $4  }
0x107: {  	v28 =	vmul.f32 $5.120000000e+02, v19;
	v27 =	vxor.u32 v21, v27;
	v21 =	vld [tilespmem:s0+$0x2060];
	v19 =	vor.u32 v22, v26  }
0x108: {  	v26 =	vmul.f32 $5.120000000e+02, v27;
	v27 =	vxor.u32 v18, v30;
	[tilespmem:v24+s19+$0x0] =	vst.idx.add.f32.msk $0xffff, v1;
	v18 =	vor.u32 v12, v25  }
0x109: {  	v12 =	vmovc v23;
	v22 =	vsub.f32 $4.096000000e+03, v28;
	v25 =	vmul.f32 $5.120000000e+02, v27;
	v24 =	vxor.u32 v34, v31;
	[tilespmem:v29+s19+$0x0] =	vst.idx.add.f32.msk $0xffff, v1  }
0x10a: {  	v23 =	vsub.f32 $4.096000000e+03, v26;
	v24 =	vmul.f32 $5.120000000e+02, v24;
	v26 =	vxor.u32 v36, v33;
	[tilespmem:v32+s19+$0x0] =	vst.idx.add.f32.msk $0xffff, v1  }
0x10b: {  	v25 =	vsub.f32 $4.096000000e+03, v25;
	v26 =	vmul.f32 $5.120000000e+02, v26  }
0x10c: {  	v16 =	vxor.u32 v20, v16;
	v52 =	vtrunc.f32 v22;
	v2 =	vor.u32 v2, v9  }
0x10d: {  	v3 =	vor.u32 v3, v10;
	v16 =	vmul.f32 $5.120000000e+02, v16;
	v17 =	vxor.u32 v21, v17  }
0x10e: {  	v53 =	vsub.f32 $4.096000000e+03, v24;
	v54 =	vtrunc.f32 v23;
	v20 =	vcvt.f32.s32 v52  }
0x10f: {  	v17 =	vmul.f32 $5.120000000e+02, v17;
	v55 =	vsub.f32 $4.096000000e+03, v26;
	v56 =	vtrunc.f32 v25  }
0x110: {  	v22 =	vcvt.f32.s32 v54;
	v16 =	vsub.f32 $4.096000000e+03, v16;
	v21 =	vtrunc.f32 v53  }
0x111: {  	[tilespmem:v15+s19+$0x0] =	vst.idx.add.f32.msk $0xffff, v1;
	v20 =	vmin.u32 v20, $0x1FFF;
	v24 =	vcvt.f32.s32 v56;
	v23 =	vtrunc.f32 v55  }
0x112: {  	[tilespmem:v19+s19+$0x0] =	vst.idx.add.f32.msk $0xffff, v1;
	v57 =	vcvt.f32.s32 v21;
	v58 =	vmin.u32 v22, $0x1FFF;
	v11 =	vor.u32 v11, v20  }
0x113: {  	[tilespmem:v18+s19+$0x0] =	vst.idx.add.f32.msk $0xffff, v1;
	v17 =	vsub.f32 $4.096000000e+03, v17;
	v59 =	vcvt.f32.s32 v23;
	v60 =	vmin.u32 v24, $0x1FFF  }
0x114: {  	[tilespmem:v4+s19+$0x0] =	vst.idx.add.f32.msk $0xffff, v1;
	v6 =	vor.u32 v6, v58;
	v61 =	vtrunc.f32 v16;
	v15 =	vmin.u32 v57, $0x1FFF  }
0x115: {  	[tilespmem:v5+s19+$0x0] =	vst.idx.add.f32.msk $0xffff, v1;
	v7 =	vor.u32 v7, v60;
	v63 =	vtrunc.f32 v17;
	v4 =	vcvt.f32.s32 v61  }
0x116: {  	[tilespmem:v2+s19+$0x0] =	vst.idx.add.f32.msk $0xffff, v1;
	v62 =	vmin.u32 v59, $0x1FFF;
	v8 =	vor.u32 v8, v15;
	v5 =	vcvt.f32.s32 v63  }
0x117: {  	[tilespmem:v3+s19+$0x0] =	vst.idx.add.f32.msk $0xffff, v1;
	v12 =	vor.u32 v12, v62;
	v4 =	vmin.u32 v4, $0x1FFF  }
0x118: {  	[tilespmem:v11+s19+$0x0] =	vst.idx.add.f32.msk $0xffff, v1;
	v5 =	vmin.u32 v5, $0x1FFF;
	v4 =	vor.u32 v13, v4  }
0x119: {  	[tilespmem:v6+s19+$0x0] =	vst.idx.add.f32.msk $0xffff, v1;
	v5 =	vor.u32 v14, v5  }
.Ltmp5:
0x11a: {  	[tilespmem:v7+s19+$0x0] =	vst.idx.add.f32.msk $0xffff, v1;
	(pc) =	sbr.rel @p0 .LBB2_10-.Ltmp5, $4  }
0x11b: {  	[tilespmem:v8+s19+$0x0] =	vst.idx.add.f32.msk $0xffff, v1  }
0x11c: {  	[tilespmem:v12+s19+$0x0] =	vst.idx.add.f32.msk $0xffff, v1  }
0x11d: {  	[tilespmem:v4+s19+$0x0] =	vst.idx.add.f32.msk $0xffff, v1  }
0x11e: {  	[tilespmem:v5+s19+$0x0] =	vst.idx.add.f32.msk $0xffff, v1  }
0x11f: {  	s0 =	sadd.s32 s29, s11  }
0x120: {  	s0 =	sshll.u32 s0, $0x9  }
0x121: {  	s0 =	sadd.s32 s5, s0  }
.Ltmp6:
0x122: {  	s0 =	sshrl.u32 s0, $0x3;
	(pc) =	sbr.rel .LBB2_4-.Ltmp6, $4  }
0x123: {  	s4 =	sadd.s32 s1, s0  }
0x124: {  	[tilespmem:s15], [sflag:$0x2] =	stream.linear.gather [hbm4b:s4+s3], $0x2000, $0x38;
	[tilespmem:$0xC000] =	vst v63  }
0x125: {  	s28 =	sadd.s32 $0x1, s28;
	s0 =	sadd.s32 s2, s0  }
0x126: {  	[tilespmem:s16], [sflag:$0x4] =	stream.linear.gather [hbm4b:s0+s3], $0x2000, $0x38;
	[tilespmem:$0xC000] =	vst v63  }
.LBB2_11:
0x127: {  	_ =	sfence.sel $0x180000  }
0x128: {  	[bflag:$0x0] =	sbarrier.arrive $0xFFFF  }
0x129: {  	_ =	strace $0x90000047  }
0x12a: {  	s0 =	stileid.u32;
	[bflag:$0x2] =	sbarrier.arrive $0xFFFF  }
0x12b: {  	p0 =	sne.s32 s0, $0x0;
	s0 =	rddreg [dreg:$0x3]  }
0x12c: {  	s0 =	sadd.s32 @!p0 $0x100000, s0  }
0x12d: {  	[sflag:s0] =	ssyncadd.tile.s32 @!p0 $0x1;
	_ =	shalt  }
.Lfunc_end2:
_tile_overlayer_lowered:
.L_overlay_start_2:
0x12e: {  	(tag) =	ssettag $0x2  }
0x12f: {  	s0 =	rddreg [dreg:$0x0];
	s2 =	stileid.u32  }
0x130: {  	s1 =	rddreg [dreg:$0x1];
	p0 =	sne.s32 s2, $0x0  }
0x131: {  	s3 =	rddreg [dreg:$0x2];
	[bflag:$0x3] =	sbarrier.arrive $0xFFFF;
	s2 =	simm.s32 @!p0 $0x1C05  }
0x132: {  	[timem:s3], [sflag:s2] =	dma.local @!p0 [hbm:s0], s1  }
0x133: {  	s0 =	simm.s32 @!p0 $0x5  }
0x134: {  	_ =	swait.ge @!p0 [sflag:s0], s1  }
0x135: {  	s1 =	ssub.s32 @!p0 $0x0, s1;
	[sflag:s0] =	ssyncset.done @!p0 $0x0  }
0x136: {  	[sflag:s0] =	ssyncadd.s32 @!p0 s1  }
0x137: {  	[bflag:$0x3] =	sbarrier.arrive $0xFFFF  }
0x138: {  	_ =	shalt  }

</sc_bundles>
